<compile_context>
chip_gen: v7x
topology: tpu7x:2x2x1
jax: 0.10.2.dev20260603
libtpu: 0.0.44.dev20260713+nightly
codegen_flags: <defaults>
</compile_context>

<pallas_src>
import functools

import jax
import jax.numpy as jnp
from jax import lax
from jax.experimental import pallas as pl
from jax.experimental.pallas import tpu as pltpu
from jax.experimental.pallas import tpu_sc as plsc

B = 8
C = 64
N = 2048
K = 3
RB = 512
NB = N // RB


_G = N // 128
_CH = 64


def _topk_body(x_ref, idx_ref, tbl_ref, sqc_scr):
    nb = pl.program_id(1)
    b = pl.program_id(0)
    xb = x_ref[0]

    @pl.when(nb == 0)
    def _():
        sqc_scr[...] = jnp.sum(xb * xb, axis=0, keepdims=True)

    xrows = x_ref[0, :, pl.ds(nb * RB, RB)]
    key = lax.dot_general(xrows * (-2.0), xb, (((0,), (0,)), ((), ())),
                          preferred_element_type=jnp.float32)
    sqc = sqc_scr[0]

    ident = (lax.broadcasted_iota(jnp.int32, (C, C), 0) ==
             lax.broadcasted_iota(jnp.int32, (C, C), 1)).astype(jnp.float32)
    tbl_ref[0, pl.ds(nb * RB, RB), :] = lax.dot_general(
        xrows, ident, (((0,), (0,)), ((), ())),
        preferred_element_type=jnp.float32)

    laneid = lax.broadcasted_iota(jnp.int32, (_CH, 128), 1)
    lanef = laneid.astype(jnp.float32)
    rowid0 = lax.broadcasted_iota(jnp.int32, (_CH, 1), 0)
    picks = [[] for _ in range(K - 1)]
    for h in range(RB // _CH):
        rid = rowid0 + (nb * RB + h * _CH)
        kh = key[h * _CH:(h + 1) * _CH, :]

        def group(g):
            kg = kh[:, g * 128:(g + 1) * 128] + sqc[g * 128:(g + 1) * 128]
            if g % (_G // NB) == h // 2:
                kg = jnp.where(laneid == rid - g * 128, jnp.inf, kg)
            return kg

        def pair(i):
            ka = group(2 * i)
            kb = group(2 * i + 1)
            tb = kb < ka
            return (jnp.minimum(ka, kb),
                    jnp.where(tb, jnp.float32(2 * i + 1),
                              jnp.float32(2 * i)),
                    jnp.where(tb, ka, kb),
                    jnp.where(tb, jnp.float32(2 * i),
                              jnp.float32(2 * i + 1)))

        def merge(acc, s):
            a1, ga1, a2, ga2 = acc
            b1, gb1, b2, gb2 = s
            tb = b1 < a1
            m1 = jnp.minimum(a1, b1)
            g1 = jnp.where(tb, gb1, ga1)
            candl = jnp.where(tb, a1, a2)
            gl = jnp.where(tb, ga1, ga2)
            candr = jnp.where(tb, b2, b1)
            gr = jnp.where(tb, gb2, gb1)
            tr = candr < candl
            m2 = jnp.minimum(candl, candr)
            g2 = jnp.where(tr, gr, gl)
            return (m1, g1, m2, g2)

        accl = pair(0)
        accr = pair(_G // 4)
        for i in range(1, _G // 4):
            accl = merge(accl, pair(i))
            accr = merge(accr, pair(_G // 4 + i))
        a1, ga1, a2, ga2 = merge(accl, accr)
        val1 = jnp.min(a1, axis=1, keepdims=True)
        ck1 = jnp.where(a1 == val1, ga1 * 128.0 + lanef, jnp.float32(N))
        i1 = jnp.min(ck1, axis=1, keepdims=True).astype(jnp.int32)
        hit = laneid == jnp.bitwise_and(i1, 127)
        a1 = jnp.where(hit, a2, a1)
        ga1 = jnp.where(hit, ga2, ga1)
        val2 = jnp.min(a1, axis=1, keepdims=True)
        ck2 = jnp.where(a1 == val2, ga1 * 128.0 + lanef, jnp.float32(N))
        i2 = jnp.min(ck2, axis=1, keepdims=True).astype(jnp.int32)
        picks[0].append(i1)
        picks[1].append(i2)
    stacked = jnp.concatenate(
        [jnp.concatenate(picks[t], axis=0).reshape(1, RB)
         for t in range(K - 1)],
        axis=0)
    idx_ref[0, :, pl.ds(nb * RB, RB)] = stacked + b * N


def _topk_indices(x):
    return pl.pallas_call(
        _topk_body,
        grid=(B, NB),
        in_specs=[pl.BlockSpec((1, C, N), lambda b, nb: (b, 0, 0))],
        out_specs=[pl.BlockSpec((1, K - 1, N), lambda b, nb: (b, 0, 0)),
                   pl.BlockSpec((1, N, C), lambda b, nb: (b, 0, 0))],
        out_shape=[jax.ShapeDtypeStruct((B, K - 1, N), jnp.int32),
                   jax.ShapeDtypeStruct((B, N, C), jnp.float32)],
        scratch_shapes=[pltpu.VMEM((1, N), jnp.float32)],
    )(x)


_NC = 2
_NS = 16
_NW = _NC * _NS
_TOK_PER_W = (B * N) // _NW
_SUB = 128
_NSUB = _TOK_PER_W // _SUB


def _gather_body(fidx_hbm, table_hbm, p1_hbm, p2_hbm,
                 idx_v, row_v, sem):
    wid = lax.axis_index("s") * _NC + lax.axis_index("c")
    parts_per_b = N // _TOK_PER_W
    b = wid // parts_per_b
    tok0 = (wid % parts_per_b) * _TOK_PER_W
    outs = (p1_hbm, p2_hbm)
    for j in range(K - 1):
        for s in range(_NSUB):
            off = tok0 + s * _SUB
            pltpu.sync_copy(
                fidx_hbm.at[pl.ds((b * (K - 1) + j) * N + off, _SUB)],
                idx_v)
            pltpu.async_copy(table_hbm.at[idx_v], row_v, sem).wait()
            pltpu.sync_copy(row_v, outs[j].at[b, pl.ds(off, _SUB)])


@functools.partial(jax.jit)
def _gather_neighbors(fidx, table):
    mesh = plsc.VectorSubcoreMesh(core_axis_name="c", subcore_axis_name="s")
    out = jax.ShapeDtypeStruct((B, N, C), jnp.float32)
    k = pl.kernel(
        _gather_body,
        mesh=mesh,
        compiler_params=pltpu.CompilerParams(use_tc_tiling_on_sc=False),
        out_type=(out, out),
        scratch_types=[
            pltpu.VMEM((_SUB,), jnp.int32),
            pltpu.VMEM((_SUB, C), jnp.float32),
            pltpu.SemaphoreType.DMA,
        ],
    )
    return k(fidx, table)


_CB = 512
_NCB = N // _CB


def _conv_body(p0_ref, p1_ref, p2_ref, w_ref, b_ref, out_ref):
    w = w_ref[...]
    acc = lax.dot_general(w[0], p0_ref[0], (((1,), (1,)), ((), ())),
                          preferred_element_type=jnp.float32)
    acc += lax.dot_general(w[1], p1_ref[0], (((1,), (1,)), ((), ())),
                           preferred_element_type=jnp.float32)
    acc += lax.dot_general(w[2], p2_ref[0], (((1,), (1,)), ((), ())),
                           preferred_element_type=jnp.float32)
    out_ref[0] = acc + b_ref[...]


def _conv_out(p0, p1, p2, wstack, bias2d):
    spec = pl.BlockSpec((1, _CB, C), lambda b, nb: (b, nb, 0))
    return pl.pallas_call(
        _conv_body,
        grid=(B, _NCB),
        in_specs=[
            spec, spec, spec,
            pl.BlockSpec((K, C, C), lambda b, nb: (0, 0, 0)),
            pl.BlockSpec((C, 1), lambda b, nb: (0, 0)),
        ],
        out_specs=pl.BlockSpec((1, C, _CB), lambda b, nb: (b, 0, nb)),
        out_shape=jax.ShapeDtypeStruct((B, C, N), jnp.float32),
    )(p0, p1, p2, wstack, bias2d)


def kernel(x, W, b):
    fidx, xt = _topk_indices(x)
    table = xt.reshape(B * N, C)
    p1, p2 = _gather_neighbors(fidx.reshape(-1), table)
    wstack = jnp.transpose(W, (2, 0, 1))
    bias2d = b[:, None]
    return _conv_out(xt, p1, p2, wstack, bias2d)

# --- scband reference (transcript-rebuilt; emitter-appended) ---
"""Pipeline reference for scband-conv1d-nn-50654844289696 (READ-ONLY COPY).

The authoritative reference and input builder live on the scoring server;
editing this copy changes nothing except your own understanding.
"""

import jax, jax.numpy as jnp
import numpy as np


def setup_inputs(seed: int = 0):
    key = jax.random.key(seed)
    k1, k2, k3 = jax.random.split(key, 3)
    x = jax.random.normal(k1, (8, 64, 2048), dtype=jnp.float32)
    fan_in = 64 * 3
    W = jax.random.normal(k2, (64, 64, 3), dtype=jnp.float32) / jnp.float32(np.sqrt(fan_in))
    b = jax.random.normal(k3, (64,), dtype=jnp.float32) * 0.01
    return {"x": x, "W": W, "b": b}


def _nnt_prime(x, k):
    # x: (B, C, N) -> prime: (B, C, N*k)
    # For each token, find its k nearest neighbors (self included, since
    # dist(i,i)=0 is smallest) and lay their feature vectors out consecutively
    # along the length dimension, matching the NNT 'prime' tensor.
    xt = jnp.transpose(x, (0, 2, 1))  # (B, N, C)
    sq = jnp.sum(xt * xt, axis=-1)    # (B, N)
    d2 = sq[:, :, None] + sq[:, None, :] - 2.0 * jnp.einsum('bnc,bmc->bnm', xt, xt)
    d2 = jnp.maximum(d2, 0.0)         # squared euclidean: same ordering as torch.cdist
    _, idx = jax.lax.top_k(-d2, k)    # (B, N, k) indices of k smallest distances
    neigh = jax.vmap(lambda xb, ib: xb[ib])(xt, idx)  # gather: (B, N, k, C)
    B, N, _, C = neigh.shape
    prime = jnp.transpose(neigh.reshape(B, N * k, C), (0, 2, 1))  # (B, C, N*k)
    return prime


def reference(x, W, b):
    K = 3
    prime = _nnt_prime(x, K)
    out = jax.lax.conv_general_dilated(
        prime, W, window_strides=(K,), padding='VALID',
        dimension_numbers=('NCH', 'OIH', 'NCH'))
    return out + b[None, :, None]

if __name__ == "__main__":
    import jax
    _d = setup_inputs()
    print(jax.jit(kernel)(*tuple(_d.values())))

</pallas_src>

<mosaic_0001>
#map = affine_map<(d0, d1) -> (0)>
#map1 = affine_map<(d0, d1) -> (0, 0)>
#map2 = affine_map<(d0, d1) -> (0, 0, 0)>
module attributes {stable_mosaic.version = 14 : i64} {
  func.func @_gather_body(%arg0: i32, %arg1: i32, %arg2: memref<32768xi32, #tpu.memory_space<hbm>>, %arg3: memref<16384x64xf32, #tpu.memory_space<hbm>>, %arg4: memref<8x2048x64xf32, #tpu.memory_space<hbm>>, %arg5: memref<8x2048x64xf32, #tpu.memory_space<hbm>>, %arg6: memref<128xi32, #tpu.memory_space<vmem>>, %arg7: memref<128x64xf32, #tpu.memory_space<vmem>>, %arg8: memref<!tpu.dma_semaphore, #tpu.memory_space<semaphore_mem>>) attributes {dimension_semantics = [#tpu.dimension_semantics<core_parallel>, #tpu.dimension_semantics<subcore_parallel>], iteration_bounds = array<i64: 2, 16>, scalar_prefetch = 0 : i64, scratch_operands = 3 : i64, tpu.core_type = #tpu.core_type<sc_vector_subcore>, window_params = [{transform_indices = #map}, {transform_indices = #map1}, {transform_indices = #map2}, {transform_indices = #map2}]} {
    %mul3A = arith.constant 2 : i32
    %mul3A_0 = arith.muli %arg1, %mul3A : i32
    %add3A = arith.addi %mul3A_0, %arg0 : i32
    %jit3A = arith.constant 4 : i32
    %div3A = arith.divsi %add3A, %jit3A : i32
    %sign3A = arith.constant 0 : i32
    %sign3A_1 = arith.cmpi sgt, %add3A, %sign3A : i32
    %sign3A_2 = arith.extui %sign3A_1 : i1 to i32
    %sign3A_3 = arith.constant 0 : i32
    %sign3A_4 = arith.cmpi slt, %add3A, %sign3A_3 : i32
    %sign3A_5 = arith.extui %sign3A_4 : i1 to i32
    %sign3A_6 = arith.subi %sign3A_2, %sign3A_5 : i32
    %sign3A_7 = arith.constant 0 : i32
    %sign3A_8 = arith.cmpi sgt, %jit3A, %sign3A_7 : i32
    %sign3A_9 = arith.extui %sign3A_8 : i1 to i32
    %sign3A_10 = arith.constant 0 : i32
    %sign3A_11 = arith.cmpi slt, %jit3A, %sign3A_10 : i32
    %sign3A_12 = arith.extui %sign3A_11 : i1 to i32
    %sign3A_13 = arith.subi %sign3A_9, %sign3A_12 : i32
    %ne3A = arith.cmpi ne, %sign3A_6, %sign3A_13 : i32
    %rem3A = arith.remsi %add3A, %jit3A : i32
    %ne3A_14 = arith.constant 0 : i32
    %ne3A_15 = arith.cmpi ne, %rem3A, %ne3A_14 : i32
    %and3A = arith.andi %ne3A, %ne3A_15 : i1
    %sub3A = arith.constant 1 : i32
    %sub3A_16 = arith.subi %div3A, %sub3A : i32
    %select_n3A = arith.select %and3A, %sub3A_16, %div3A : i32
    %jit3A_17 = arith.constant 4 : i32
    %eq3A = arith.constant 0 : i32
    %eq3A_18 = arith.cmpi eq, %jit3A_17, %eq3A : i32
    %jit3A_19 = arith.constant 1 : i32
    %select_n3A_20 = arith.select %eq3A_18, %jit3A_19, %jit3A_17 : i32
    %rem3A_21 = arith.remsi %add3A, %select_n3A_20 : i32
    %ne3A_22 = arith.constant 0 : i32
    %ne3A_23 = arith.cmpi ne, %rem3A_21, %ne3A_22 : i32
    %lt3A = arith.constant 0 : i32
    %lt3A_24 = arith.cmpi slt, %rem3A_21, %lt3A : i32
    %lt3A_25 = arith.constant 0 : i32
    %lt3A_26 = arith.cmpi slt, %select_n3A_20, %lt3A_25 : i32
    %ne3A_27 = arith.xori %lt3A_24, %lt3A_26 : i1
    %and3A_28 = arith.andi %ne3A_27, %ne3A_23 : i1
    %add3A_29 = arith.addi %rem3A_21, %select_n3A_20 : i32
    %select_n3A_30 = arith.select %and3A_28, %add3A_29, %rem3A_21 : i32
    %mul3A_31 = arith.constant 512 : i32
    %mul3A_32 = arith.muli %select_n3A_30, %mul3A_31 : i32
    %add3A_33 = arith.constant 0 : i32
    %add3A_34 = arith.addi %mul3A_32, %add3A_33 : i32
    %mul3A_35 = arith.constant 2 : i32
    %mul3A_36 = arith.muli %select_n3A, %mul3A_35 : i32
    %add3A_37 = arith.constant 0 : i32
    %add3A_38 = arith.addi %mul3A_36, %add3A_37 : i32
    %mul3A_39 = arith.constant 2048 : i32
    %mul3A_40 = arith.muli %add3A_38, %mul3A_39 : i32
    %add3A_41 = arith.addi %mul3A_40, %add3A_34 : i32
    "tpu.region"() ({
      %run_scoped3A = tpu.sem_alloc : memref<!tpu.dma_semaphore, #tpu.memory_space<semaphore_mem>>
      %dma_start3A_151 = tpu.memref_slice %arg2[%add3A_41] : memref<32768xi32, #tpu.memory_space<hbm>> -> memref<128xi32, #tpu.memory_space<hbm>>
      %dma_start3A_152 = tpu.memref_slice %arg2[%add3A_41] : memref<32768xi32, #tpu.memory_space<hbm>> -> memref<128xi32, #tpu.memory_space<hbm>>
      tpu.enqueue_dma source(%dma_start3A_152 : memref<128xi32, #tpu.memory_space<hbm>>) target(%arg6 : memref<128xi32, #tpu.memory_space<vmem>>) target_semaphore(%run_scoped3A : memref<!tpu.dma_semaphore, #tpu.memory_space<semaphore_mem>>)
      %dma_wait3A_153 = tpu.memref_slice %arg2[%add3A_41] : memref<32768xi32, #tpu.memory_space<hbm>> -> memref<128xi32, #tpu.memory_space<hbm>>
      %dma_wait3A_154 = tpu.memref_slice %arg2[%add3A_41] : memref<32768xi32, #tpu.memory_space<hbm>> -> memref<128xi32, #tpu.memory_space<hbm>>
      tpu.wait_dma2 semaphore(%run_scoped3A : memref<!tpu.dma_semaphore, #tpu.memory_space<semaphore_mem>>) src(%dma_wait3A_154 : memref<128xi32, #tpu.memory_space<hbm>>) dst(%arg6 : memref<128xi32, #tpu.memory_space<vmem>>)
      tpu.yield
    }) : () -> ()
    %dma_start3A = arith.constant 0 : i32
    %dma_start3A_42 = arith.constant 0 : i32
    %dma_start3A_43 = tpu.memref_slice %arg3[%dma_start3A, %dma_start3A_42] : memref<16384x64xf32, #tpu.memory_space<hbm>> -> memref<16384x64xf32, #tpu.memory_space<hbm>>
    tpu.enqueue_indirect_dma source(%dma_start3A_43 : memref<16384x64xf32, #tpu.memory_space<hbm>>) target(%arg7 : memref<128x64xf32, #tpu.memory_space<vmem>>) offsets(%arg6 : memref<128xi32, #tpu.memory_space<vmem>>) semaphore(%arg8 : memref<!tpu.dma_semaphore, #tpu.memory_space<semaphore_mem>>)
    %dma_wait3A = arith.constant 0 : i32
    %dma_wait3A_44 = arith.constant 0 : i32
    %dma_wait3A_45 = tpu.memref_slice %arg3[%dma_wait3A, %dma_wait3A_44] : memref<16384x64xf32, #tpu.memory_space<hbm>> -> memref<16384x64xf32, #tpu.memory_space<hbm>>
    tpu.wait_indirect_dma semaphore(%arg8 : memref<!tpu.dma_semaphore, #tpu.memory_space<semaphore_mem>>) src(%dma_wait3A_45 : memref<16384x64xf32, #tpu.memory_space<hbm>>) dst(%arg7 : memref<128x64xf32, #tpu.memory_space<vmem>>)
    "tpu.region"() ({
      %run_scoped3A = tpu.sem_alloc : memref<!tpu.dma_semaphore, #tpu.memory_space<semaphore_mem>>
      %dma_start3A_151 = arith.constant 0 : i32
      %dma_start3A_152 = tpu.memref_slice %arg4[%select_n3A, %add3A_34, %dma_start3A_151] : memref<8x2048x64xf32, #tpu.memory_space<hbm>> -> memref<1x128x64xf32, #tpu.memory_space<hbm>>
      %dma_start3A_153 = tpu.memref_squeeze %dma_start3A_152 : memref<1x128x64xf32, #tpu.memory_space<hbm>> -> memref<128x64xf32, #tpu.memory_space<hbm>>
      %dma_start3A_154 = arith.constant 0 : i32
      %dma_start3A_155 = tpu.memref_slice %arg4[%select_n3A, %add3A_34, %dma_start3A_154] : memref<8x2048x64xf32, #tpu.memory_space<hbm>> -> memref<1x128x64xf32, #tpu.memory_space<hbm>>
      %dma_start3A_156 = tpu.memref_squeeze %dma_start3A_155 : memref<1x128x64xf32, #tpu.memory_space<hbm>> -> memref<128x64xf32, #tpu.memory_space<hbm>>
      tpu.enqueue_dma source(%arg7 : memref<128x64xf32, #tpu.memory_space<vmem>>) target(%dma_start3A_156 : memref<128x64xf32, #tpu.memory_space<hbm>>) target_semaphore(%run_scoped3A : memref<!tpu.dma_semaphore, #tpu.memory_space<semaphore_mem>>)
      %dma_wait3A_157 = arith.constant 0 : i32
      %dma_wait3A_158 = tpu.memref_slice %arg4[%select_n3A, %add3A_34, %dma_wait3A_157] : memref<8x2048x64xf32, #tpu.memory_space<hbm>> -> memref<1x128x64xf32, #tpu.memory_space<hbm>>
      %dma_wait3A_159 = tpu.memref_squeeze %dma_wait3A_158 : memref<1x128x64xf32, #tpu.memory_space<hbm>> -> memref<128x64xf32, #tpu.memory_space<hbm>>
      %dma_wait3A_160 = arith.constant 0 : i32
      %dma_wait3A_161 = tpu.memref_slice %arg4[%select_n3A, %add3A_34, %dma_wait3A_160] : memref<8x2048x64xf32, #tpu.memory_space<hbm>> -> memref<1x128x64xf32, #tpu.memory_space<hbm>>
      %dma_wait3A_162 = tpu.memref_squeeze %dma_wait3A_161 : memref<1x128x64xf32, #tpu.memory_space<hbm>> -> memref<128x64xf32, #tpu.memory_space<hbm>>
      tpu.wait_dma2 semaphore(%run_scoped3A : memref<!tpu.dma_semaphore, #tpu.memory_space<semaphore_mem>>) src(%arg7 : memref<128x64xf32, #tpu.memory_space<vmem>>) dst(%dma_wait3A_162 : memref<128x64xf32, #tpu.memory_space<hbm>>)
      tpu.yield
    }) : () -> ()
    %add3A_46 = arith.constant 128 : i32
    %add3A_47 = arith.addi %mul3A_32, %add3A_46 : i32
    %mul3A_48 = arith.constant 2 : i32
    %mul3A_49 = arith.muli %select_n3A, %mul3A_48 : i32
    %add3A_50 = arith.constant 0 : i32
    %add3A_51 = arith.addi %mul3A_49, %add3A_50 : i32
    %mul3A_52 = arith.constant 2048 : i32
    %mul3A_53 = arith.muli %add3A_51, %mul3A_52 : i32
    %add3A_54 = arith.addi %mul3A_53, %add3A_47 : i32
    "tpu.region"() ({
      %run_scoped3A = tpu.sem_alloc : memref<!tpu.dma_semaphore, #tpu.memory_space<semaphore_mem>>
      %dma_start3A_151 = tpu.memref_slice %arg2[%add3A_54] : memref<32768xi32, #tpu.memory_space<hbm>> -> memref<128xi32, #tpu.memory_space<hbm>>
      %dma_start3A_152 = tpu.memref_slice %arg2[%add3A_54] : memref<32768xi32, #tpu.memory_space<hbm>> -> memref<128xi32, #tpu.memory_space<hbm>>
      tpu.enqueue_dma source(%dma_start3A_152 : memref<128xi32, #tpu.memory_space<hbm>>) target(%arg6 : memref<128xi32, #tpu.memory_space<vmem>>) target_semaphore(%run_scoped3A : memref<!tpu.dma_semaphore, #tpu.memory_space<semaphore_mem>>)
      %dma_wait3A_153 = tpu.memref_slice %arg2[%add3A_54] : memref<32768xi32, #tpu.memory_space<hbm>> -> memref<128xi32, #tpu.memory_space<hbm>>
      %dma_wait3A_154 = tpu.memref_slice %arg2[%add3A_54] : memref<32768xi32, #tpu.memory_space<hbm>> -> memref<128xi32, #tpu.memory_space<hbm>>
      tpu.wait_dma2 semaphore(%run_scoped3A : memref<!tpu.dma_semaphore, #tpu.memory_space<semaphore_mem>>) src(%dma_wait3A_154 : memref<128xi32, #tpu.memory_space<hbm>>) dst(%arg6 : memref<128xi32, #tpu.memory_space<vmem>>)
      tpu.yield
    }) : () -> ()
    %dma_start3A_55 = arith.constant 0 : i32
    %dma_start3A_56 = arith.constant 0 : i32
    %dma_start3A_57 = tpu.memref_slice %arg3[%dma_start3A_55, %dma_start3A_56] : memref<16384x64xf32, #tpu.memory_space<hbm>> -> memref<16384x64xf32, #tpu.memory_space<hbm>>
    tpu.enqueue_indirect_dma source(%dma_start3A_57 : memref<16384x64xf32, #tpu.memory_space<hbm>>) target(%arg7 : memref<128x64xf32, #tpu.memory_space<vmem>>) offsets(%arg6 : memref<128xi32, #tpu.memory_space<vmem>>) semaphore(%arg8 : memref<!tpu.dma_semaphore, #tpu.memory_space<semaphore_mem>>)
    %dma_wait3A_58 = arith.constant 0 : i32
    %dma_wait3A_59 = arith.constant 0 : i32
    %dma_wait3A_60 = tpu.memref_slice %arg3[%dma_wait3A_58, %dma_wait3A_59] : memref<16384x64xf32, #tpu.memory_space<hbm>> -> memref<16384x64xf32, #tpu.memory_space<hbm>>
    tpu.wait_indirect_dma semaphore(%arg8 : memref<!tpu.dma_semaphore, #tpu.memory_space<semaphore_mem>>) src(%dma_wait3A_60 : memref<16384x64xf32, #tpu.memory_space<hbm>>) dst(%arg7 : memref<128x64xf32, #tpu.memory_space<vmem>>)
    "tpu.region"() ({
      %run_scoped3A = tpu.sem_alloc : memref<!tpu.dma_semaphore, #tpu.memory_space<semaphore_mem>>
      %dma_start3A_151 = arith.constant 0 : i32
      %dma_start3A_152 = tpu.memref_slice %arg4[%select_n3A, %add3A_47, %dma_start3A_151] : memref<8x2048x64xf32, #tpu.memory_space<hbm>> -> memref<1x128x64xf32, #tpu.memory_space<hbm>>
      %dma_start3A_153 = tpu.memref_squeeze %dma_start3A_152 : memref<1x128x64xf32, #tpu.memory_space<hbm>> -> memref<128x64xf32, #tpu.memory_space<hbm>>
      %dma_start3A_154 = arith.constant 0 : i32
      %dma_start3A_155 = tpu.memref_slice %arg4[%select_n3A, %add3A_47, %dma_start3A_154] : memref<8x2048x64xf32, #tpu.memory_space<hbm>> -> memref<1x128x64xf32, #tpu.memory_space<hbm>>
      %dma_start3A_156 = tpu.memref_squeeze %dma_start3A_155 : memref<1x128x64xf32, #tpu.memory_space<hbm>> -> memref<128x64xf32, #tpu.memory_space<hbm>>
      tpu.enqueue_dma source(%arg7 : memref<128x64xf32, #tpu.memory_space<vmem>>) target(%dma_start3A_156 : memref<128x64xf32, #tpu.memory_space<hbm>>) target_semaphore(%run_scoped3A : memref<!tpu.dma_semaphore, #tpu.memory_space<semaphore_mem>>)
      %dma_wait3A_157 = arith.constant 0 : i32
      %dma_wait3A_158 = tpu.memref_slice %arg4[%select_n3A, %add3A_47, %dma_wait3A_157] : memref<8x2048x64xf32, #tpu.memory_space<hbm>> -> memref<1x128x64xf32, #tpu.memory_space<hbm>>
      %dma_wait3A_159 = tpu.memref_squeeze %dma_wait3A_158 : memref<1x128x64xf32, #tpu.memory_space<hbm>> -> memref<128x64xf32, #tpu.memory_space<hbm>>
      %dma_wait3A_160 = arith.constant 0 : i32
      %dma_wait3A_161 = tpu.memref_slice %arg4[%select_n3A, %add3A_47, %dma_wait3A_160] : memref<8x2048x64xf32, #tpu.memory_space<hbm>> -> memref<1x128x64xf32, #tpu.memory_space<hbm>>
      %dma_wait3A_162 = tpu.memref_squeeze %dma_wait3A_161 : memref<1x128x64xf32, #tpu.memory_space<hbm>> -> memref<128x64xf32, #tpu.memory_space<hbm>>
      tpu.wait_dma2 semaphore(%run_scoped3A : memref<!tpu.dma_semaphore, #tpu.memory_space<semaphore_mem>>) src(%arg7 : memref<128x64xf32, #tpu.memory_space<vmem>>) dst(%dma_wait3A_162 : memref<128x64xf32, #tpu.memory_space<hbm>>)
      tpu.yield
    }) : () -> ()
    %add3A_61 = arith.constant 256 : i32
    %add3A_62 = arith.addi %mul3A_32, %add3A_61 : i32
    %mul3A_63 = arith.constant 2 : i32
    %mul3A_64 = arith.muli %select_n3A, %mul3A_63 : i32
    %add3A_65 = arith.constant 0 : i32
    %add3A_66 = arith.addi %mul3A_64, %add3A_65 : i32
    %mul3A_67 = arith.constant 2048 : i32
    %mul3A_68 = arith.muli %add3A_66, %mul3A_67 : i32
    %add3A_69 = arith.addi %mul3A_68, %add3A_62 : i32
    "tpu.region"() ({
      %run_scoped3A = tpu.sem_alloc : memref<!tpu.dma_semaphore, #tpu.memory_space<semaphore_mem>>
      %dma_start3A_151 = tpu.memref_slice %arg2[%add3A_69] : memref<32768xi32, #tpu.memory_space<hbm>> -> memref<128xi32, #tpu.memory_space<hbm>>
      %dma_start3A_152 = tpu.memref_slice %arg2[%add3A_69] : memref<32768xi32, #tpu.memory_space<hbm>> -> memref<128xi32, #tpu.memory_space<hbm>>
      tpu.enqueue_dma source(%dma_start3A_152 : memref<128xi32, #tpu.memory_space<hbm>>) target(%arg6 : memref<128xi32, #tpu.memory_space<vmem>>) target_semaphore(%run_scoped3A : memref<!tpu.dma_semaphore, #tpu.memory_space<semaphore_mem>>)
      %dma_wait3A_153 = tpu.memref_slice %arg2[%add3A_69] : memref<32768xi32, #tpu.memory_space<hbm>> -> memref<128xi32, #tpu.memory_space<hbm>>
      %dma_wait3A_154 = tpu.memref_slice %arg2[%add3A_69] : memref<32768xi32, #tpu.memory_space<hbm>> -> memref<128xi32, #tpu.memory_space<hbm>>
      tpu.wait_dma2 semaphore(%run_scoped3A : memref<!tpu.dma_semaphore, #tpu.memory_space<semaphore_mem>>) src(%dma_wait3A_154 : memref<128xi32, #tpu.memory_space<hbm>>) dst(%arg6 : memref<128xi32, #tpu.memory_space<vmem>>)
      tpu.yield
    }) : () -> ()
    %dma_start3A_70 = arith.constant 0 : i32
    %dma_start3A_71 = arith.constant 0 : i32
    %dma_start3A_72 = tpu.memref_slice %arg3[%dma_start3A_70, %dma_start3A_71] : memref<16384x64xf32, #tpu.memory_space<hbm>> -> memref<16384x64xf32, #tpu.memory_space<hbm>>
    tpu.enqueue_indirect_dma source(%dma_start3A_72 : memref<16384x64xf32, #tpu.memory_space<hbm>>) target(%arg7 : memref<128x64xf32, #tpu.memory_space<vmem>>) offsets(%arg6 : memref<128xi32, #tpu.memory_space<vmem>>) semaphore(%arg8 : memref<!tpu.dma_semaphore, #tpu.memory_space<semaphore_mem>>)
    %dma_wait3A_73 = arith.constant 0 : i32
    %dma_wait3A_74 = arith.constant 0 : i32
    %dma_wait3A_75 = tpu.memref_slice %arg3[%dma_wait3A_73, %dma_wait3A_74] : memref<16384x64xf32, #tpu.memory_space<hbm>> -> memref<16384x64xf32, #tpu.memory_space<hbm>>
    tpu.wait_indirect_dma semaphore(%arg8 : memref<!tpu.dma_semaphore, #tpu.memory_space<semaphore_mem>>) src(%dma_wait3A_75 : memref<16384x64xf32, #tpu.memory_space<hbm>>) dst(%arg7 : memref<128x64xf32, #tpu.memory_space<vmem>>)
    "tpu.region"() ({
      %run_scoped3A = tpu.sem_alloc : memref<!tpu.dma_semaphore, #tpu.memory_space<semaphore_mem>>
      %dma_start3A_151 = arith.constant 0 : i32
      %dma_start3A_152 = tpu.memref_slice %arg4[%select_n3A, %add3A_62, %dma_start3A_151] : memref<8x2048x64xf32, #tpu.memory_space<hbm>> -> memref<1x128x64xf32, #tpu.memory_space<hbm>>
      %dma_start3A_153 = tpu.memref_squeeze %dma_start3A_152 : memref<1x128x64xf32, #tpu.memory_space<hbm>> -> memref<128x64xf32, #tpu.memory_space<hbm>>
      %dma_start3A_154 = arith.constant 0 : i32
      %dma_start3A_155 = tpu.memref_slice %arg4[%select_n3A, %add3A_62, %dma_start3A_154] : memref<8x2048x64xf32, #tpu.memory_space<hbm>> -> memref<1x128x64xf32, #tpu.memory_space<hbm>>
      %dma_start3A_156 = tpu.memref_squeeze %dma_start3A_155 : memref<1x128x64xf32, #tpu.memory_space<hbm>> -> memref<128x64xf32, #tpu.memory_space<hbm>>
      tpu.enqueue_dma source(%arg7 : memref<128x64xf32, #tpu.memory_space<vmem>>) target(%dma_start3A_156 : memref<128x64xf32, #tpu.memory_space<hbm>>) target_semaphore(%run_scoped3A : memref<!tpu.dma_semaphore, #tpu.memory_space<semaphore_mem>>)
      %dma_wait3A_157 = arith.constant 0 : i32
      %dma_wait3A_158 = tpu.memref_slice %arg4[%select_n3A, %add3A_62, %dma_wait3A_157] : memref<8x2048x64xf32, #tpu.memory_space<hbm>> -> memref<1x128x64xf32, #tpu.memory_space<hbm>>
      %dma_wait3A_159 = tpu.memref_squeeze %dma_wait3A_158 : memref<1x128x64xf32, #tpu.memory_space<hbm>> -> memref<128x64xf32, #tpu.memory_space<hbm>>
      %dma_wait3A_160 = arith.constant 0 : i32
      %dma_wait3A_161 = tpu.memref_slice %arg4[%select_n3A, %add3A_62, %dma_wait3A_160] : memref<8x2048x64xf32, #tpu.memory_space<hbm>> -> memref<1x128x64xf32, #tpu.memory_space<hbm>>
      %dma_wait3A_162 = tpu.memref_squeeze %dma_wait3A_161 : memref<1x128x64xf32, #tpu.memory_space<hbm>> -> memref<128x64xf32, #tpu.memory_space<hbm>>
      tpu.wait_dma2 semaphore(%run_scoped3A : memref<!tpu.dma_semaphore, #tpu.memory_space<semaphore_mem>>) src(%arg7 : memref<128x64xf32, #tpu.memory_space<vmem>>) dst(%dma_wait3A_162 : memref<128x64xf32, #tpu.memory_space<hbm>>)
      tpu.yield
    }) : () -> ()
    %add3A_76 = arith.constant 384 : i32
    %add3A_77 = arith.addi %mul3A_32, %add3A_76 : i32
    %mul3A_78 = arith.constant 2 : i32
    %mul3A_79 = arith.muli %select_n3A, %mul3A_78 : i32
    %add3A_80 = arith.constant 0 : i32
    %add3A_81 = arith.addi %mul3A_79, %add3A_80 : i32
    %mul3A_82 = arith.constant 2048 : i32
    %mul3A_83 = arith.muli %add3A_81, %mul3A_82 : i32
    %add3A_84 = arith.addi %mul3A_83, %add3A_77 : i32
    "tpu.region"() ({
      %run_scoped3A = tpu.sem_alloc : memref<!tpu.dma_semaphore, #tpu.memory_space<semaphore_mem>>
      %dma_start3A_151 = tpu.memref_slice %arg2[%add3A_84] : memref<32768xi32, #tpu.memory_space<hbm>> -> memref<128xi32, #tpu.memory_space<hbm>>
      %dma_start3A_152 = tpu.memref_slice %arg2[%add3A_84] : memref<32768xi32, #tpu.memory_space<hbm>> -> memref<128xi32, #tpu.memory_space<hbm>>
      tpu.enqueue_dma source(%dma_start3A_152 : memref<128xi32, #tpu.memory_space<hbm>>) target(%arg6 : memref<128xi32, #tpu.memory_space<vmem>>) target_semaphore(%run_scoped3A : memref<!tpu.dma_semaphore, #tpu.memory_space<semaphore_mem>>)
      %dma_wait3A_153 = tpu.memref_slice %arg2[%add3A_84] : memref<32768xi32, #tpu.memory_space<hbm>> -> memref<128xi32, #tpu.memory_space<hbm>>
      %dma_wait3A_154 = tpu.memref_slice %arg2[%add3A_84] : memref<32768xi32, #tpu.memory_space<hbm>> -> memref<128xi32, #tpu.memory_space<hbm>>
      tpu.wait_dma2 semaphore(%run_scoped3A : memref<!tpu.dma_semaphore, #tpu.memory_space<semaphore_mem>>) src(%dma_wait3A_154 : memref<128xi32, #tpu.memory_space<hbm>>) dst(%arg6 : memref<128xi32, #tpu.memory_space<vmem>>)
      tpu.yield
    }) : () -> ()
    %dma_start3A_85 = arith.constant 0 : i32
    %dma_start3A_86 = arith.constant 0 : i32
    %dma_start3A_87 = tpu.memref_slice %arg3[%dma_start3A_85, %dma_start3A_86] : memref<16384x64xf32, #tpu.memory_space<hbm>> -> memref<16384x64xf32, #tpu.memory_space<hbm>>
    tpu.enqueue_indirect_dma source(%dma_start3A_87 : memref<16384x64xf32, #tpu.memory_space<hbm>>) target(%arg7 : memref<128x64xf32, #tpu.memory_space<vmem>>) offsets(%arg6 : memref<128xi32, #tpu.memory_space<vmem>>) semaphore(%arg8 : memref<!tpu.dma_semaphore, #tpu.memory_space<semaphore_mem>>)
    %dma_wait3A_88 = arith.constant 0 : i32
    %dma_wait3A_89 = arith.constant 0 : i32
    %dma_wait3A_90 = tpu.memref_slice %arg3[%dma_wait3A_88, %dma_wait3A_89] : memref<16384x64xf32, #tpu.memory_space<hbm>> -> memref<16384x64xf32, #tpu.memory_space<hbm>>
    tpu.wait_indirect_dma semaphore(%arg8 : memref<!tpu.dma_semaphore, #tpu.memory_space<semaphore_mem>>) src(%dma_wait3A_90 : memref<16384x64xf32, #tpu.memory_space<hbm>>) dst(%arg7 : memref<128x64xf32, #tpu.memory_space<vmem>>)
    "tpu.region"() ({
      %run_scoped3A = tpu.sem_alloc : memref<!tpu.dma_semaphore, #tpu.memory_space<semaphore_mem>>
      %dma_start3A_151 = arith.constant 0 : i32
      %dma_start3A_152 = tpu.memref_slice %arg4[%select_n3A, %add3A_77, %dma_start3A_151] : memref<8x2048x64xf32, #tpu.memory_space<hbm>> -> memref<1x128x64xf32, #tpu.memory_space<hbm>>
      %dma_start3A_153 = tpu.memref_squeeze %dma_start3A_152 : memref<1x128x64xf32, #tpu.memory_space<hbm>> -> memref<128x64xf32, #tpu.memory_space<hbm>>
      %dma_start3A_154 = arith.constant 0 : i32
      %dma_start3A_155 = tpu.memref_slice %arg4[%select_n3A, %add3A_77, %dma_start3A_154] : memref<8x2048x64xf32, #tpu.memory_space<hbm>> -> memref<1x128x64xf32, #tpu.memory_space<hbm>>
      %dma_start3A_156 = tpu.memref_squeeze %dma_start3A_155 : memref<1x128x64xf32, #tpu.memory_space<hbm>> -> memref<128x64xf32, #tpu.memory_space<hbm>>
      tpu.enqueue_dma source(%arg7 : memref<128x64xf32, #tpu.memory_space<vmem>>) target(%dma_start3A_156 : memref<128x64xf32, #tpu.memory_space<hbm>>) target_semaphore(%run_scoped3A : memref<!tpu.dma_semaphore, #tpu.memory_space<semaphore_mem>>)
      %dma_wait3A_157 = arith.constant 0 : i32
      %dma_wait3A_158 = tpu.memref_slice %arg4[%select_n3A, %add3A_77, %dma_wait3A_157] : memref<8x2048x64xf32, #tpu.memory_space<hbm>> -> memref<1x128x64xf32, #tpu.memory_space<hbm>>
      %dma_wait3A_159 = tpu.memref_squeeze %dma_wait3A_158 : memref<1x128x64xf32, #tpu.memory_space<hbm>> -> memref<128x64xf32, #tpu.memory_space<hbm>>
      %dma_wait3A_160 = arith.constant 0 : i32
      %dma_wait3A_161 = tpu.memref_slice %arg4[%select_n3A, %add3A_77, %dma_wait3A_160] : memref<8x2048x64xf32, #tpu.memory_space<hbm>> -> memref<1x128x64xf32, #tpu.memory_space<hbm>>
      %dma_wait3A_162 = tpu.memref_squeeze %dma_wait3A_161 : memref<1x128x64xf32, #tpu.memory_space<hbm>> -> memref<128x64xf32, #tpu.memory_space<hbm>>
      tpu.wait_dma2 semaphore(%run_scoped3A : memref<!tpu.dma_semaphore, #tpu.memory_space<semaphore_mem>>) src(%arg7 : memref<128x64xf32, #tpu.memory_space<vmem>>) dst(%dma_wait3A_162 : memref<128x64xf32, #tpu.memory_space<hbm>>)
      tpu.yield
    }) : () -> ()
    %add3A_91 = arith.constant 0 : i32
    %add3A_92 = arith.addi %mul3A_32, %add3A_91 : i32
    %mul3A_93 = arith.constant 2 : i32
    %mul3A_94 = arith.muli %select_n3A, %mul3A_93 : i32
    %add3A_95 = arith.constant 1 : i32
    %add3A_96 = arith.addi %mul3A_94, %add3A_95 : i32
    %mul3A_97 = arith.constant 2048 : i32
    %mul3A_98 = arith.muli %add3A_96, %mul3A_97 : i32
    %add3A_99 = arith.addi %mul3A_98, %add3A_92 : i32
    "tpu.region"() ({
      %run_scoped3A = tpu.sem_alloc : memref<!tpu.dma_semaphore, #tpu.memory_space<semaphore_mem>>
      %dma_start3A_151 = tpu.memref_slice %arg2[%add3A_99] : memref<32768xi32, #tpu.memory_space<hbm>> -> memref<128xi32, #tpu.memory_space<hbm>>
      %dma_start3A_152 = tpu.memref_slice %arg2[%add3A_99] : memref<32768xi32, #tpu.memory_space<hbm>> -> memref<128xi32, #tpu.memory_space<hbm>>
      tpu.enqueue_dma source(%dma_start3A_152 : memref<128xi32, #tpu.memory_space<hbm>>) target(%arg6 : memref<128xi32, #tpu.memory_space<vmem>>) target_semaphore(%run_scoped3A : memref<!tpu.dma_semaphore, #tpu.memory_space<semaphore_mem>>)
      %dma_wait3A_153 = tpu.memref_slice %arg2[%add3A_99] : memref<32768xi32, #tpu.memory_space<hbm>> -> memref<128xi32, #tpu.memory_space<hbm>>
      %dma_wait3A_154 = tpu.memref_slice %arg2[%add3A_99] : memref<32768xi32, #tpu.memory_space<hbm>> -> memref<128xi32, #tpu.memory_space<hbm>>
      tpu.wait_dma2 semaphore(%run_scoped3A : memref<!tpu.dma_semaphore, #tpu.memory_space<semaphore_mem>>) src(%dma_wait3A_154 : memref<128xi32, #tpu.memory_space<hbm>>) dst(%arg6 : memref<128xi32, #tpu.memory_space<vmem>>)
      tpu.yield
    }) : () -> ()
    %dma_start3A_100 = arith.constant 0 : i32
    %dma_start3A_101 = arith.constant 0 : i32
    %dma_start3A_102 = tpu.memref_slice %arg3[%dma_start3A_100, %dma_start3A_101] : memref<16384x64xf32, #tpu.memory_space<hbm>> -> memref<16384x64xf32, #tpu.memory_space<hbm>>
    tpu.enqueue_indirect_dma source(%dma_start3A_102 : memref<16384x64xf32, #tpu.memory_space<hbm>>) target(%arg7 : memref<128x64xf32, #tpu.memory_space<vmem>>) offsets(%arg6 : memref<128xi32, #tpu.memory_space<vmem>>) semaphore(%arg8 : memref<!tpu.dma_semaphore, #tpu.memory_space<semaphore_mem>>)
    %dma_wait3A_103 = arith.constant 0 : i32
    %dma_wait3A_104 = arith.constant 0 : i32
    %dma_wait3A_105 = tpu.memref_slice %arg3[%dma_wait3A_103, %dma_wait3A_104] : memref<16384x64xf32, #tpu.memory_space<hbm>> -> memref<16384x64xf32, #tpu.memory_space<hbm>>
    tpu.wait_indirect_dma semaphore(%arg8 : memref<!tpu.dma_semaphore, #tpu.memory_space<semaphore_mem>>) src(%dma_wait3A_105 : memref<16384x64xf32, #tpu.memory_space<hbm>>) dst(%arg7 : memref<128x64xf32, #tpu.memory_space<vmem>>)
    "tpu.region"() ({
      %run_scoped3A = tpu.sem_alloc : memref<!tpu.dma_semaphore, #tpu.memory_space<semaphore_mem>>
      %dma_start3A_151 = arith.constant 0 : i32
      %dma_start3A_152 = tpu.memref_slice %arg5[%select_n3A, %add3A_92, %dma_start3A_151] : memref<8x2048x64xf32, #tpu.memory_space<hbm>> -> memref<1x128x64xf32, #tpu.memory_space<hbm>>
      %dma_start3A_153 = tpu.memref_squeeze %dma_start3A_152 : memref<1x128x64xf32, #tpu.memory_space<hbm>> -> memref<128x64xf32, #tpu.memory_space<hbm>>
      %dma_start3A_154 = arith.constant 0 : i32
      %dma_start3A_155 = tpu.memref_slice %arg5[%select_n3A, %add3A_92, %dma_start3A_154] : memref<8x2048x64xf32, #tpu.memory_space<hbm>> -> memref<1x128x64xf32, #tpu.memory_space<hbm>>
      %dma_start3A_156 = tpu.memref_squeeze %dma_start3A_155 : memref<1x128x64xf32, #tpu.memory_space<hbm>> -> memref<128x64xf32, #tpu.memory_space<hbm>>
      tpu.enqueue_dma source(%arg7 : memref<128x64xf32, #tpu.memory_space<vmem>>) target(%dma_start3A_156 : memref<128x64xf32, #tpu.memory_space<hbm>>) target_semaphore(%run_scoped3A : memref<!tpu.dma_semaphore, #tpu.memory_space<semaphore_mem>>)
      %dma_wait3A_157 = arith.constant 0 : i32
      %dma_wait3A_158 = tpu.memref_slice %arg5[%select_n3A, %add3A_92, %dma_wait3A_157] : memref<8x2048x64xf32, #tpu.memory_space<hbm>> -> memref<1x128x64xf32, #tpu.memory_space<hbm>>
      %dma_wait3A_159 = tpu.memref_squeeze %dma_wait3A_158 : memref<1x128x64xf32, #tpu.memory_space<hbm>> -> memref<128x64xf32, #tpu.memory_space<hbm>>
      %dma_wait3A_160 = arith.constant 0 : i32
      %dma_wait3A_161 = tpu.memref_slice %arg5[%select_n3A, %add3A_92, %dma_wait3A_160] : memref<8x2048x64xf32, #tpu.memory_space<hbm>> -> memref<1x128x64xf32, #tpu.memory_space<hbm>>
      %dma_wait3A_162 = tpu.memref_squeeze %dma_wait3A_161 : memref<1x128x64xf32, #tpu.memory_space<hbm>> -> memref<128x64xf32, #tpu.memory_space<hbm>>
      tpu.wait_dma2 semaphore(%run_scoped3A : memref<!tpu.dma_semaphore, #tpu.memory_space<semaphore_mem>>) src(%arg7 : memref<128x64xf32, #tpu.memory_space<vmem>>) dst(%dma_wait3A_162 : memref<128x64xf32, #tpu.memory_space<hbm>>)
      tpu.yield
    }) : () -> ()
    %add3A_106 = arith.constant 128 : i32
    %add3A_107 = arith.addi %mul3A_32, %add3A_106 : i32
    %mul3A_108 = arith.constant 2 : i32
    %mul3A_109 = arith.muli %select_n3A, %mul3A_108 : i32
    %add3A_110 = arith.constant 1 : i32
    %add3A_111 = arith.addi %mul3A_109, %add3A_110 : i32
    %mul3A_112 = arith.constant 2048 : i32
    %mul3A_113 = arith.muli %add3A_111, %mul3A_112 : i32
    %add3A_114 = arith.addi %mul3A_113, %add3A_107 : i32
    "tpu.region"() ({
      %run_scoped3A = tpu.sem_alloc : memref<!tpu.dma_semaphore, #tpu.memory_space<semaphore_mem>>
      %dma_start3A_151 = tpu.memref_slice %arg2[%add3A_114] : memref<32768xi32, #tpu.memory_space<hbm>> -> memref<128xi32, #tpu.memory_space<hbm>>
      %dma_start3A_152 = tpu.memref_slice %arg2[%add3A_114] : memref<32768xi32, #tpu.memory_space<hbm>> -> memref<128xi32, #tpu.memory_space<hbm>>
      tpu.enqueue_dma source(%dma_start3A_152 : memref<128xi32, #tpu.memory_space<hbm>>) target(%arg6 : memref<128xi32, #tpu.memory_space<vmem>>) target_semaphore(%run_scoped3A : memref<!tpu.dma_semaphore, #tpu.memory_space<semaphore_mem>>)
      %dma_wait3A_153 = tpu.memref_slice %arg2[%add3A_114] : memref<32768xi32, #tpu.memory_space<hbm>> -> memref<128xi32, #tpu.memory_space<hbm>>
      %dma_wait3A_154 = tpu.memref_slice %arg2[%add3A_114] : memref<32768xi32, #tpu.memory_space<hbm>> -> memref<128xi32, #tpu.memory_space<hbm>>
      tpu.wait_dma2 semaphore(%run_scoped3A : memref<!tpu.dma_semaphore, #tpu.memory_space<semaphore_mem>>) src(%dma_wait3A_154 : memref<128xi32, #tpu.memory_space<hbm>>) dst(%arg6 : memref<128xi32, #tpu.memory_space<vmem>>)
      tpu.yield
    }) : () -> ()
    %dma_start3A_115 = arith.constant 0 : i32
    %dma_start3A_116 = arith.constant 0 : i32
    %dma_start3A_117 = tpu.memref_slice %arg3[%dma_start3A_115, %dma_start3A_116] : memref<16384x64xf32, #tpu.memory_space<hbm>> -> memref<16384x64xf32, #tpu.memory_space<hbm>>
    tpu.enqueue_indirect_dma source(%dma_start3A_117 : memref<16384x64xf32, #tpu.memory_space<hbm>>) target(%arg7 : memref<128x64xf32, #tpu.memory_space<vmem>>) offsets(%arg6 : memref<128xi32, #tpu.memory_space<vmem>>) semaphore(%arg8 : memref<!tpu.dma_semaphore, #tpu.memory_space<semaphore_mem>>)
    %dma_wait3A_118 = arith.constant 0 : i32
    %dma_wait3A_119 = arith.constant 0 : i32
    %dma_wait3A_120 = tpu.memref_slice %arg3[%dma_wait3A_118, %dma_wait3A_119] : memref<16384x64xf32, #tpu.memory_space<hbm>> -> memref<16384x64xf32, #tpu.memory_space<hbm>>
    tpu.wait_indirect_dma semaphore(%arg8 : memref<!tpu.dma_semaphore, #tpu.memory_space<semaphore_mem>>) src(%dma_wait3A_120 : memref<16384x64xf32, #tpu.memory_space<hbm>>) dst(%arg7 : memref<128x64xf32, #tpu.memory_space<vmem>>)
    "tpu.region"() ({
      %run_scoped3A = tpu.sem_alloc : memref<!tpu.dma_semaphore, #tpu.memory_space<semaphore_mem>>
      %dma_start3A_151 = arith.constant 0 : i32
      %dma_start3A_152 = tpu.memref_slice %arg5[%select_n3A, %add3A_107, %dma_start3A_151] : memref<8x2048x64xf32, #tpu.memory_space<hbm>> -> memref<1x128x64xf32, #tpu.memory_space<hbm>>
      %dma_start3A_153 = tpu.memref_squeeze %dma_start3A_152 : memref<1x128x64xf32, #tpu.memory_space<hbm>> -> memref<128x64xf32, #tpu.memory_space<hbm>>
      %dma_start3A_154 = arith.constant 0 : i32
      %dma_start3A_155 = tpu.memref_slice %arg5[%select_n3A, %add3A_107, %dma_start3A_154] : memref<8x2048x64xf32, #tpu.memory_space<hbm>> -> memref<1x128x64xf32, #tpu.memory_space<hbm>>
      %dma_start3A_156 = tpu.memref_squeeze %dma_start3A_155 : memref<1x128x64xf32, #tpu.memory_space<hbm>> -> memref<128x64xf32, #tpu.memory_space<hbm>>
      tpu.enqueue_dma source(%arg7 : memref<128x64xf32, #tpu.memory_space<vmem>>) target(%dma_start3A_156 : memref<128x64xf32, #tpu.memory_space<hbm>>) target_semaphore(%run_scoped3A : memref<!tpu.dma_semaphore, #tpu.memory_space<semaphore_mem>>)
      %dma_wait3A_157 = arith.constant 0 : i32
      %dma_wait3A_158 = tpu.memref_slice %arg5[%select_n3A, %add3A_107, %dma_wait3A_157] : memref<8x2048x64xf32, #tpu.memory_space<hbm>> -> memref<1x128x64xf32, #tpu.memory_space<hbm>>
      %dma_wait3A_159 = tpu.memref_squeeze %dma_wait3A_158 : memref<1x128x64xf32, #tpu.memory_space<hbm>> -> memref<128x64xf32, #tpu.memory_space<hbm>>
      %dma_wait3A_160 = arith.constant 0 : i32
      %dma_wait3A_161 = tpu.memref_slice %arg5[%select_n3A, %add3A_107, %dma_wait3A_160] : memref<8x2048x64xf32, #tpu.memory_space<hbm>> -> memref<1x128x64xf32, #tpu.memory_space<hbm>>
      %dma_wait3A_162 = tpu.memref_squeeze %dma_wait3A_161 : memref<1x128x64xf32, #tpu.memory_space<hbm>> -> memref<128x64xf32, #tpu.memory_space<hbm>>
      tpu.wait_dma2 semaphore(%run_scoped3A : memref<!tpu.dma_semaphore, #tpu.memory_space<semaphore_mem>>) src(%arg7 : memref<128x64xf32, #tpu.memory_space<vmem>>) dst(%dma_wait3A_162 : memref<128x64xf32, #tpu.memory_space<hbm>>)
      tpu.yield
    }) : () -> ()
    %add3A_121 = arith.constant 256 : i32
    %add3A_122 = arith.addi %mul3A_32, %add3A_121 : i32
    %mul3A_123 = arith.constant 2 : i32
    %mul3A_124 = arith.muli %select_n3A, %mul3A_123 : i32
    %add3A_125 = arith.constant 1 : i32
    %add3A_126 = arith.addi %mul3A_124, %add3A_125 : i32
    %mul3A_127 = arith.constant 2048 : i32
    %mul3A_128 = arith.muli %add3A_126, %mul3A_127 : i32
    %add3A_129 = arith.addi %mul3A_128, %add3A_122 : i32
    "tpu.region"() ({
      %run_scoped3A = tpu.sem_alloc : memref<!tpu.dma_semaphore, #tpu.memory_space<semaphore_mem>>
      %dma_start3A_151 = tpu.memref_slice %arg2[%add3A_129] : memref<32768xi32, #tpu.memory_space<hbm>> -> memref<128xi32, #tpu.memory_space<hbm>>
      %dma_start3A_152 = tpu.memref_slice %arg2[%add3A_129] : memref<32768xi32, #tpu.memory_space<hbm>> -> memref<128xi32, #tpu.memory_space<hbm>>
      tpu.enqueue_dma source(%dma_start3A_152 : memref<128xi32, #tpu.memory_space<hbm>>) target(%arg6 : memref<128xi32, #tpu.memory_space<vmem>>) target_semaphore(%run_scoped3A : memref<!tpu.dma_semaphore, #tpu.memory_space<semaphore_mem>>)
      %dma_wait3A_153 = tpu.memref_slice %arg2[%add3A_129] : memref<32768xi32, #tpu.memory_space<hbm>> -> memref<128xi32, #tpu.memory_space<hbm>>
      %dma_wait3A_154 = tpu.memref_slice %arg2[%add3A_129] : memref<32768xi32, #tpu.memory_space<hbm>> -> memref<128xi32, #tpu.memory_space<hbm>>
      tpu.wait_dma2 semaphore(%run_scoped3A : memref<!tpu.dma_semaphore, #tpu.memory_space<semaphore_mem>>) src(%dma_wait3A_154 : memref<128xi32, #tpu.memory_space<hbm>>) dst(%arg6 : memref<128xi32, #tpu.memory_space<vmem>>)
      tpu.yield
    }) : () -> ()
    %dma_start3A_130 = arith.constant 0 : i32
    %dma_start3A_131 = arith.constant 0 : i32
    %dma_start3A_132 = tpu.memref_slice %arg3[%dma_start3A_130, %dma_start3A_131] : memref<16384x64xf32, #tpu.memory_space<hbm>> -> memref<16384x64xf32, #tpu.memory_space<hbm>>
    tpu.enqueue_indirect_dma source(%dma_start3A_132 : memref<16384x64xf32, #tpu.memory_space<hbm>>) target(%arg7 : memref<128x64xf32, #tpu.memory_space<vmem>>) offsets(%arg6 : memref<128xi32, #tpu.memory_space<vmem>>) semaphore(%arg8 : memref<!tpu.dma_semaphore, #tpu.memory_space<semaphore_mem>>)
    %dma_wait3A_133 = arith.constant 0 : i32
    %dma_wait3A_134 = arith.constant 0 : i32
    %dma_wait3A_135 = tpu.memref_slice %arg3[%dma_wait3A_133, %dma_wait3A_134] : memref<16384x64xf32, #tpu.memory_space<hbm>> -> memref<16384x64xf32, #tpu.memory_space<hbm>>
    tpu.wait_indirect_dma semaphore(%arg8 : memref<!tpu.dma_semaphore, #tpu.memory_space<semaphore_mem>>) src(%dma_wait3A_135 : memref<16384x64xf32, #tpu.memory_space<hbm>>) dst(%arg7 : memref<128x64xf32, #tpu.memory_space<vmem>>)
    "tpu.region"() ({
      %run_scoped3A = tpu.sem_alloc : memref<!tpu.dma_semaphore, #tpu.memory_space<semaphore_mem>>
      %dma_start3A_151 = arith.constant 0 : i32
      %dma_start3A_152 = tpu.memref_slice %arg5[%select_n3A, %add3A_122, %dma_start3A_151] : memref<8x2048x64xf32, #tpu.memory_space<hbm>> -> memref<1x128x64xf32, #tpu.memory_space<hbm>>
      %dma_start3A_153 = tpu.memref_squeeze %dma_start3A_152 : memref<1x128x64xf32, #tpu.memory_space<hbm>> -> memref<128x64xf32, #tpu.memory_space<hbm>>
      %dma_start3A_154 = arith.constant 0 : i32
      %dma_start3A_155 = tpu.memref_slice %arg5[%select_n3A, %add3A_122, %dma_start3A_154] : memref<8x2048x64xf32, #tpu.memory_space<hbm>> -> memref<1x128x64xf32, #tpu.memory_space<hbm>>
      %dma_start3A_156 = tpu.memref_squeeze %dma_start3A_155 : memref<1x128x64xf32, #tpu.memory_space<hbm>> -> memref<128x64xf32, #tpu.memory_space<hbm>>
      tpu.enqueue_dma source(%arg7 : memref<128x64xf32, #tpu.memory_space<vmem>>) target(%dma_start3A_156 : memref<128x64xf32, #tpu.memory_space<hbm>>) target_semaphore(%run_scoped3A : memref<!tpu.dma_semaphore, #tpu.memory_space<semaphore_mem>>)
      %dma_wait3A_157 = arith.constant 0 : i32
      %dma_wait3A_158 = tpu.memref_slice %arg5[%select_n3A, %add3A_122, %dma_wait3A_157] : memref<8x2048x64xf32, #tpu.memory_space<hbm>> -> memref<1x128x64xf32, #tpu.memory_space<hbm>>
      %dma_wait3A_159 = tpu.memref_squeeze %dma_wait3A_158 : memref<1x128x64xf32, #tpu.memory_space<hbm>> -> memref<128x64xf32, #tpu.memory_space<hbm>>
      %dma_wait3A_160 = arith.constant 0 : i32
      %dma_wait3A_161 = tpu.memref_slice %arg5[%select_n3A, %add3A_122, %dma_wait3A_160] : memref<8x2048x64xf32, #tpu.memory_space<hbm>> -> memref<1x128x64xf32, #tpu.memory_space<hbm>>
      %dma_wait3A_162 = tpu.memref_squeeze %dma_wait3A_161 : memref<1x128x64xf32, #tpu.memory_space<hbm>> -> memref<128x64xf32, #tpu.memory_space<hbm>>
      tpu.wait_dma2 semaphore(%run_scoped3A : memref<!tpu.dma_semaphore, #tpu.memory_space<semaphore_mem>>) src(%arg7 : memref<128x64xf32, #tpu.memory_space<vmem>>) dst(%dma_wait3A_162 : memref<128x64xf32, #tpu.memory_space<hbm>>)
      tpu.yield
    }) : () -> ()
    %add3A_136 = arith.constant 384 : i32
    %add3A_137 = arith.addi %mul3A_32, %add3A_136 : i32
    %mul3A_138 = arith.constant 2 : i32
    %mul3A_139 = arith.muli %select_n3A, %mul3A_138 : i32
    %add3A_140 = arith.constant 1 : i32
    %add3A_141 = arith.addi %mul3A_139, %add3A_140 : i32
    %mul3A_142 = arith.constant 2048 : i32
    %mul3A_143 = arith.muli %add3A_141, %mul3A_142 : i32
    %add3A_144 = arith.addi %mul3A_143, %add3A_137 : i32
    "tpu.region"() ({
      %run_scoped3A = tpu.sem_alloc : memref<!tpu.dma_semaphore, #tpu.memory_space<semaphore_mem>>
      %dma_start3A_151 = tpu.memref_slice %arg2[%add3A_144] : memref<32768xi32, #tpu.memory_space<hbm>> -> memref<128xi32, #tpu.memory_space<hbm>>
      %dma_start3A_152 = tpu.memref_slice %arg2[%add3A_144] : memref<32768xi32, #tpu.memory_space<hbm>> -> memref<128xi32, #tpu.memory_space<hbm>>
      tpu.enqueue_dma source(%dma_start3A_152 : memref<128xi32, #tpu.memory_space<hbm>>) target(%arg6 : memref<128xi32, #tpu.memory_space<vmem>>) target_semaphore(%run_scoped3A : memref<!tpu.dma_semaphore, #tpu.memory_space<semaphore_mem>>)
      %dma_wait3A_153 = tpu.memref_slice %arg2[%add3A_144] : memref<32768xi32, #tpu.memory_space<hbm>> -> memref<128xi32, #tpu.memory_space<hbm>>
      %dma_wait3A_154 = tpu.memref_slice %arg2[%add3A_144] : memref<32768xi32, #tpu.memory_space<hbm>> -> memref<128xi32, #tpu.memory_space<hbm>>
      tpu.wait_dma2 semaphore(%run_scoped3A : memref<!tpu.dma_semaphore, #tpu.memory_space<semaphore_mem>>) src(%dma_wait3A_154 : memref<128xi32, #tpu.memory_space<hbm>>) dst(%arg6 : memref<128xi32, #tpu.memory_space<vmem>>)
      tpu.yield
    }) : () -> ()
    %dma_start3A_145 = arith.constant 0 : i32
    %dma_start3A_146 = arith.constant 0 : i32
    %dma_start3A_147 = tpu.memref_slice %arg3[%dma_start3A_145, %dma_start3A_146] : memref<16384x64xf32, #tpu.memory_space<hbm>> -> memref<16384x64xf32, #tpu.memory_space<hbm>>
    tpu.enqueue_indirect_dma source(%dma_start3A_147 : memref<16384x64xf32, #tpu.memory_space<hbm>>) target(%arg7 : memref<128x64xf32, #tpu.memory_space<vmem>>) offsets(%arg6 : memref<128xi32, #tpu.memory_space<vmem>>) semaphore(%arg8 : memref<!tpu.dma_semaphore, #tpu.memory_space<semaphore_mem>>)
    %dma_wait3A_148 = arith.constant 0 : i32
    %dma_wait3A_149 = arith.constant 0 : i32
    %dma_wait3A_150 = tpu.memref_slice %arg3[%dma_wait3A_148, %dma_wait3A_149] : memref<16384x64xf32, #tpu.memory_space<hbm>> -> memref<16384x64xf32, #tpu.memory_space<hbm>>
    tpu.wait_indirect_dma semaphore(%arg8 : memref<!tpu.dma_semaphore, #tpu.memory_space<semaphore_mem>>) src(%dma_wait3A_150 : memref<16384x64xf32, #tpu.memory_space<hbm>>) dst(%arg7 : memref<128x64xf32, #tpu.memory_space<vmem>>)
    "tpu.region"() ({
      %run_scoped3A = tpu.sem_alloc : memref<!tpu.dma_semaphore, #tpu.memory_space<semaphore_mem>>
      %dma_start3A_151 = arith.constant 0 : i32
      %dma_start3A_152 = tpu.memref_slice %arg5[%select_n3A, %add3A_137, %dma_start3A_151] : memref<8x2048x64xf32, #tpu.memory_space<hbm>> -> memref<1x128x64xf32, #tpu.memory_space<hbm>>
      %dma_start3A_153 = tpu.memref_squeeze %dma_start3A_152 : memref<1x128x64xf32, #tpu.memory_space<hbm>> -> memref<128x64xf32, #tpu.memory_space<hbm>>
      %dma_start3A_154 = arith.constant 0 : i32
      %dma_start3A_155 = tpu.memref_slice %arg5[%select_n3A, %add3A_137, %dma_start3A_154] : memref<8x2048x64xf32, #tpu.memory_space<hbm>> -> memref<1x128x64xf32, #tpu.memory_space<hbm>>
      %dma_start3A_156 = tpu.memref_squeeze %dma_start3A_155 : memref<1x128x64xf32, #tpu.memory_space<hbm>> -> memref<128x64xf32, #tpu.memory_space<hbm>>
      tpu.enqueue_dma source(%arg7 : memref<128x64xf32, #tpu.memory_space<vmem>>) target(%dma_start3A_156 : memref<128x64xf32, #tpu.memory_space<hbm>>) target_semaphore(%run_scoped3A : memref<!tpu.dma_semaphore, #tpu.memory_space<semaphore_mem>>)
      %dma_wait3A_157 = arith.constant 0 : i32
      %dma_wait3A_158 = tpu.memref_slice %arg5[%select_n3A, %add3A_137, %dma_wait3A_157] : memref<8x2048x64xf32, #tpu.memory_space<hbm>> -> memref<1x128x64xf32, #tpu.memory_space<hbm>>
      %dma_wait3A_159 = tpu.memref_squeeze %dma_wait3A_158 : memref<1x128x64xf32, #tpu.memory_space<hbm>> -> memref<128x64xf32, #tpu.memory_space<hbm>>
      %dma_wait3A_160 = arith.constant 0 : i32
      %dma_wait3A_161 = tpu.memref_slice %arg5[%select_n3A, %add3A_137, %dma_wait3A_160] : memref<8x2048x64xf32, #tpu.memory_space<hbm>> -> memref<1x128x64xf32, #tpu.memory_space<hbm>>
      %dma_wait3A_162 = tpu.memref_squeeze %dma_wait3A_161 : memref<1x128x64xf32, #tpu.memory_space<hbm>> -> memref<128x64xf32, #tpu.memory_space<hbm>>
      tpu.wait_dma2 semaphore(%run_scoped3A : memref<!tpu.dma_semaphore, #tpu.memory_space<semaphore_mem>>) src(%arg7 : memref<128x64xf32, #tpu.memory_space<vmem>>) dst(%dma_wait3A_162 : memref<128x64xf32, #tpu.memory_space<hbm>>)
      tpu.yield
    }) : () -> ()
    return
  }
}

</mosaic_0001>

<sc_bundles>
// kernel: _gather_neighbors.3.cloned.1.call-start
scs
__scs_entry_jumppad:
0x0: {  	(pc) =	sbr.rel $0x88, $3  }
0x1: {  	(tag) =	ssettag $0x0;
	lr =	simm.s32 $0x1  }
0x2: {  	[smem:$0x3F9F] =	sst lr;
	_ =	strace $0xD0000000  }
0x3: {  	_ = 	snop  }
0x4: {  	_ = 	snop  }
0x5: {  	_ = 	snop  }
0x6: {  	_ = 	snop  }
0x7: {  	_ = 	snop  }
__scs_overlays_trampoline_lowered:
0x8: {  	[smem:$0x3FAE] =	sst s0  }
0x9: {  	[smem:$0x3FAF] =	sst s1  }
0xa: {  	[smem:$0x3FB0] =	sst s2  }
0xb: {  	[smem:$0x3FB1] =	sst s3  }
0xc: {  	[smem:$0x3FB2] =	sst s4  }
0xd: {  	[smem:$0x3FB3] =	sst s5  }
0xe: {  	[smem:$0x3FB4] =	sst s6  }
0xf: {  	[smem:$0x3FB5] =	sst s7  }
0x10: {  	[smem:$0x3FB6] =	sst s8  }
0x11: {  	[smem:$0x3FB7] =	sst s9;
	s0 =	simm.s32 @!p0 $0x0  }
0x12: {  	s1 =	sld [smem:$0x3F9D];
	s0 =	simm.s32 @p0 $0x1  }
0x13: {  	[smem:$0x3FB8] =	sst s0;
	s0 =	simm.s32 @!p1 $0x0  }
0x14: {  	s2 =	sld [smem:$0x3F9C];
	s0 =	simm.s32 @p1 $0x1  }
0x15: {  	[smem:$0x3FB9] =	sst s0;
	s0 =	simm.s32 @!p2 $0x0  }
0x16: {  	s3 =	sld [smem:$0x3FDB];
	s0 =	simm.s32 @p2 $0x1  }
0x17: {  	s4 =	simm.s32 $0x1BF5;
	[smem:$0x3FBB] =	sst s0  }
0x18: {  	s0 =	sld [smem:$0x3F9E];
	_ =	swait.ge [sflag:s4], $0x0  }
0x19: {  	s7 =	sld [smem:$0x3F9F]  }
0x1a: {  	s8 =	sadd.s32 $0xFFFFE003, lr  }
0x1b: {  	s9 =	sadd.s32 $0xFFFFFEF7, lr;
	s5 =	simm.s32 $0xFFFFFFFF;
	p2 =	slt.u32 s8, $0xFFFFF086  }
0x1c: {  	p1 =	slt.u32 s9, $0xF7A;
	s5 =	simm.s32 @!p2 $0x0  }
0x1d: {  	s5 =	simm.s32 @p1 $0x1;
	p0 =	seq.s32 s7, s2  }
0x1e: {  	s7 =	smul.u32 @!p0 $0xF7A, s2;
	p2 =	seq.s32 @!p0 s5, $0x0  }
0x1f: {  	s9 =	smul.u32 $0xF7A, s1;
	s8 =	simm.s32 @!p0 $0x1BF5;
	p2 =	por !p2, p0  }
0x20: {  	[sflag:s8] =	ssyncset.s32 @!p0 $0xFFFFF086;
	s6 =	sadd.s32 @!p0 s3, s7;
	s7 =	simm.s32 @!p0 $0x108  }
0x21: {  	s3 =	sadd.s32 s3, s9;
	s6 =	sadd.s32 @!p0 $0x88, s6;
	s7 =	simm.s32 @p2 $0x1082  }
0x22: {  	[simem:s7], [sflag:s8] =	dma.local @!p0 [hbm:s6], $0xF7A  }
0x23: {  	s9 =	sor.u32 $0xD0000000, s2;
	s6 =	simm.s32 $0x108;
	_ =	swait.ge @!p0 [sflag:s8], $0x0  }
0x24: {  	s3 =	sadd.s32 $0x88, s3;
	s6 =	simm.s32 @!p1 $0x1082;
	[sflag:s4] =	ssyncset.s32 $0xFFFFF086  }
0x25: {  	[simem:s6], [sflag:s4] =	dma.local [hbm:s3], $0xF7A  }
0x26: {  	[smem:$0x3F9F] =	sst s1;
	(tag) =	ssettag s2;
	_ =	strace s9  }
0x27: {  	s1 =	sld [smem:$0x3FAF]  }
0x28: {  	s2 =	sld [smem:$0x3FB0]  }
0x29: {  	s4 =	sld [smem:$0x3FB2]  }
0x2a: {  	p0 =	seq.s32 s5, $0x0;
	s5 =	sld [smem:$0x3FB3]  }
0x2b: {  	s6 =	sld [smem:$0x3FB4]  }
0x2c: {  	s7 =	sld [smem:$0x3FB5]  }
0x2d: {  	s3 =	simm.s32 $0x108;
	s8 =	sld [smem:$0x3FB6]  }
0x2e: {  	s3 =	simm.s32 @!p0 $0x1082;
	s9 =	sld [smem:$0x3FB7]  }
0x2f: {  	lr =	sadd.s32 s0, s3;
	s0 =	sld [smem:$0x3FAE]  }
0x30: {  	s3 =	sld [smem:$0x3FB1]  }
0x31: {  	[smem:$0x3FBA] =	sst s10  }
0x32: {  	s10 =	sld [smem:$0x3FB8];
	_ =	sdelay $0x3  }
0x33: {  	p0 =	seq.s32 s10, $0x1;
	s10 =	sld [smem:$0x3FBA];
	_ =	sdelay $0x3  }
0x34: {  	[smem:$0x3FBA] =	sst s10  }
0x35: {  	s10 =	sld [smem:$0x3FB9];
	_ =	sdelay $0x3  }
0x36: {  	p1 =	seq.s32 s10, $0x1;
	s10 =	sld [smem:$0x3FBA];
	_ =	sdelay $0x3  }
0x37: {  	[smem:$0x3FBA] =	sst s10  }
0x38: {  	s10 =	sld [smem:$0x3FBB]  }
0x39: {  	_ = 	snop;
	(pc) =	sbr.ind lr, $3  }
0x3a: {  	_ = 	snop  }
0x3b: {  	_ = 	snop  }
0x3c: {  	p2 =	seq.s32 s10, $0x1;
	s10 =	sld [smem:$0x3FBA]  }
0x3d: {  	_ =	shalt  }
0x3e: {  	_ =	shalt  }
0x3f: {  	_ =	shalt  }
0x40: {  	_ =	shalt  }
0x41: {  	_ =	shalt  }
0x42: {  	_ =	shalt  }
0x43: {  	_ =	shalt  }
0x44: {  	_ =	shalt  }
0x45: {  	_ =	shalt  }
0x46: {  	_ =	shalt  }
0x47: {  	_ =	shalt  }
0x48: {  	_ =	shalt  }
0x49: {  	_ =	shalt  }
0x4a: {  	_ =	shalt  }
0x4b: {  	_ =	shalt  }
0x4c: {  	_ =	shalt  }
0x4d: {  	_ =	shalt  }
0x4e: {  	_ =	shalt  }
0x4f: {  	_ =	shalt  }
0x50: {  	_ =	shalt  }
0x51: {  	_ =	shalt  }
0x52: {  	_ =	shalt  }
0x53: {  	_ =	shalt  }
0x54: {  	_ =	shalt  }
0x55: {  	_ =	shalt  }
0x56: {  	_ =	shalt  }
0x57: {  	_ =	shalt  }
0x58: {  	_ =	shalt  }
0x59: {  	_ =	shalt  }
0x5a: {  	_ =	shalt  }
0x5b: {  	_ =	shalt  }
0x5c: {  	_ =	shalt  }
0x5d: {  	_ =	shalt  }
0x5e: {  	_ =	shalt  }
0x5f: {  	_ =	shalt  }
0x60: {  	_ =	shalt  }
0x61: {  	_ =	shalt  }
0x62: {  	_ =	shalt  }
0x63: {  	_ =	shalt  }
0x64: {  	_ =	shalt  }
0x65: {  	_ =	shalt  }
0x66: {  	_ =	shalt  }
0x67: {  	_ =	shalt  }
0x68: {  	_ =	shalt  }
0x69: {  	_ =	shalt  }
0x6a: {  	_ =	shalt  }
0x6b: {  	_ =	shalt  }
0x6c: {  	_ =	shalt  }
0x6d: {  	_ =	shalt  }
0x6e: {  	_ =	shalt  }
0x6f: {  	_ =	shalt  }
0x70: {  	_ =	shalt  }
0x71: {  	_ =	shalt  }
0x72: {  	_ =	shalt  }
0x73: {  	_ =	shalt  }
0x74: {  	_ =	shalt  }
0x75: {  	_ =	shalt  }
0x76: {  	_ =	shalt  }
0x77: {  	_ =	shalt  }
0x78: {  	_ =	shalt  }
0x79: {  	_ =	shalt  }
0x7a: {  	_ =	shalt  }
0x7b: {  	_ =	shalt  }
0x7c: {  	_ =	shalt  }
0x7d: {  	_ =	shalt  }
0x7e: {  	_ =	shalt  }
0x7f: {  	_ =	shalt  }
0x80: {  	_ =	shalt  }
0x81: {  	_ =	shalt  }
0x82: {  	_ =	shalt  }
0x83: {  	_ =	shalt  }
0x84: {  	_ =	shalt  }
0x85: {  	_ =	shalt  }
0x86: {  	_ =	shalt  }
0x87: {  	_ =	shalt  }
.Lfunc_end0:
.L_simem_size_0:
called_computation_lowered:
.L_overlay_start_0:
0x88: {  	s2 =	sld [smem:$0x3FD9]  }
0x89: {  	s3 =	sld [smem:$0x3FFE];
	_ =	sdelay $0x1  }
0x8a: {  	s1 =	srdreg.scid  }
0x8b: {  	s0 =	sand.u32 $0x1, s1  }
0x8c: {  	s14 =	sshll.u32 s0, $0xA;
	s2 =	sadd.s32 s3, s2  }
0x8d: {  	s2 =	sadd.s32 s2, s14  }
0x8e: {  	[smem:$0x3FC6] =	sst s2  }
0x8f: {  	_ = 	snop  }
0x90: {  	s2 =	sld [smem:$0x3FD0];
	_ =	sdelay $0x2  }
0x91: {  	s4 =	simm.s32 $0xA;
	s5 =	simm.s32 $0x10;
	s15 =	sld [smem:$0x3FC9]  }
0x92: {  	[smem:s5], [sflag:s4] =	dma.local [hbm:s2], $0x1  }
0x93: {  	_ =	swait.eq [sflag:s4], $0x1  }
0x94: {  	[sflag:s4] =	ssyncset.done $0x0  }
0x95: {  	s16 =	sld [smem:$0x10];
	[sflag:s4] =	ssyncadd.s32 $0xFFFFFFFF  }
0x96: {  	s17 =	sld [smem:$0x11];
	(tm) =	ssettm $0x1  }
0x97: {  	s18 =	sld [smem:$0x3FFB];
	_ =	sdelay $0x3  }
0x98: {  	_ =	strace s18  }
0x99: {  	s5 =	sld [smem:$0x3FFC];
	_ =	sdelay $0x3  }
0x9a: {  	_ =	strace s5  }
0x9b: {  	s5 =	sld [smem:$0x3FFD];
	_ =	sdelay $0x3  }
0x9c: {  	_ =	strace s5  }
0x9d: {  	_ =	strace $0x8FFFFFFF  }
0x9e: {  	s19 =	sld [smem:$0x3FDB];
	_ =	sdelay $0x1  }
0x9f: {  	s6 =	simm.s32 $_scs_section_size  }
0xa0: {  	s7 =	simm.s32 $_size__tile_overlayer_lowered;
	s8 =	simm.s32 $_tile_overlayer_lowered  }
0xa1: {  	s22 =	simm.s32 $0x1BFF;
	s21 =	sshll.u32 s8, $0x1;
	s5 =	sadd.s32 s6, s19  }
0xa2: {  	s9 =	simm.s32 $0x0;
	s20 =	sshll.u32 s7, $0x1;
	s7 =	sadd.s32 s21, s5  }
0xa3: {  	[timem:s9], [sflag:s22] =	dma.local [hbm:s7], s20  }
0xa4: {  	_ =	swait.ge [sflag:s22], s20  }
0xa5: {  	s6 =	ssub.s32 $0x0, s20;
	[sflag:s22] =	ssyncset.done $0x0  }
0xa6: {  	[sflag:s22] =	ssyncadd.s32 s6;
	_ =	sdelay $0x1  }
0xa7: {  	s23 =	simm.s32 $0x1B8B  }
0xa8: {  	_ =	swait.ge [sflag:s23], $0x1  }
0xa9: {  	[sflag:s23] =	ssyncset.done $0x0  }
0xaa: {  	s25 =	simm.s32 $0x1B8E;
	s24 =	sld [smem:$0x3FFE];
	[sflag:s23] =	ssyncadd.s32 $0xFFFFFFFF  }
0xab: {  	s26 =	simm.s32 $execute0_lowered;
	[smem:$0x3FD2] =	sst s25  }
0xac: {  	s7 =	sshll.u32 s26, $0x1;
	_ =	strace $0x80000046;
	[dreg:$0x1] =	wrdreg $0xFFFFFFFF  }
0xad: {  	s28 =	simm.s32 $_size_execute0_lowered;
	s5 =	sadd.s32 s5, s7;
	[dreg:$0x0] =	wrdreg $0x0  }
0xae: {  	s7 =	sshll.u32 s28, $0x1;
	[dreg:$0x2] =	wrdreg s5  }
0xaf: {  	[dreg:$0x3] =	wrdreg s7  }
0xb0: {  	[dreg:$0x4] =	wrdreg $0xC0  }
0xb1: {  	_ =	task [dreg:s9], $0x5FFFF  }
0xb2: {  	[dreg:$0x1] =	wrdreg $0xFFFFFFFF  }
0xb3: {  	[dreg:$0x0] =	wrdreg $0x60  }
0xb4: {  	[dreg:$0x2] =	wrdreg s15  }
0xb5: {  	[dreg:$0x3] =	wrdreg s17  }
0xb6: {  	[dreg:$0x4] =	wrdreg s16  }
0xb7: {  	[dreg:$0x5] =	wrdreg s24  }
0xb8: {  	[dreg:$0x6] =	wrdreg $0x9  }
0xb9: {  	_ =	task.clear_ibuf [dreg:s9], $0x7FFFF;
	_ =	strace $0x90000046  }
0xba: {  	s29 =	simm.s32 $0x9;
	_ =	strace $0x80000048  }
0xbb: {  	_ =	swait.ge [sflag:s29], $0x1  }
0xbc: {  	[sflag:s29] =	ssyncadd.s32 $0xFFFFFFFF  }
0xbd: {  	_ =	strace $0x90000048  }
0xbe: {  	_ =	sfence  }
0xbf: {  	s30 =	sld [smem:$0x0];
	_ =	sdelay $0x2  }
0xc0: {  	s31 =	sshll.u32 s1, $0xD;
	s1 =	sshrl.u32 s1, $0x2  }
0xc1: {  	s3 =	sand.u32 $0x4000, s31;
	s1 =	sadd.s32 s1, s30  }
0xc2: {  	s0 =	sor.u32 s3, s0;
	s1 =	sshll.u32 s1, $0x11  }
0xc3: {  	s0 =	sor.u32 s1, s0  }
0xc4: {  	s0 =	sadd.s32 $0x8F2B, s0  }
0xc5: {  	[sflag:s0] =	ssyncadd.remote.s32 $0x1  }
0xc6: {  	_ =	sfence.sel $0xFFFF  }
0xc7: {  	[dreg:$0x0] =	wrdreg $0xFFFFFFFF;
	(pc) =	sbr.abs _section_cstart, $3  }
0xc8: {  	[dreg:$0x1] =	wrdreg $0xFFFFFFFF  }
0xc9: {  	_ =	task.clear_ibuf [dreg:s9], $0x2FFFF;
	_ =	strace $0x9FFFFFFF  }
0xca: {  	(tm) =	ssettm $0x7FFFFFFF  }
0xcb: {  	_ =	shalt  }
tec
execute0_lowered:
.L_overlay_start_1:
0x0: {  	(tag) =	ssettag $0x1  }
0x1: {  	s0 =	stileid.u32  }
0x2: {  	s21 =	rddreg [dreg:$0x0];
	s2 =	srdreg.scid;
	s3 =	sshll.u32 s0, $0x1  }
0x3: {  	s1 =	rddreg [dreg:$0x1];
	s22 =	sand.u32 $0x1, s2;
	s30 =	sand.u32 $0x2, s3  }
0x4: {  	s14 =	rddreg [dreg:$0x2];
	s6 =	sshrl.u32 s0, $0x1;
	s7 =	sor.u32 s22, s30  }
0x5: {  	s16 =	rddreg [dreg:$0x3];
	s17 =	sshll.u32 s6, $0xC;
	s15 =	sshll.u32 s7, $0x9  }
0x6: {  	s2 =	rddreg [dreg:$0x4];
	s3 =	simm.s32 $0x0;
	s4 =	sor.u32 s17, s15  }
0x7: {  	[smem:$0x7FF] =	sst s3;
	s4 =	sshrl.u32 s4, $0x3  }
0x8: {  	_ =	strace $0x80000047;
	s5 =	sadd.s32 s21, s4;
	s4 =	simm.s32 $0x2  }
0x9: {  	[tilespmem:s3], [sflag:$0x2] =	stream.linear.gather [hbm4b:s5+s3], $0x80, $0x38;
	[tilespmem:$0x2080] =	vst v63  }
0xa: {  	_ =	swait.ge [sflag:s4], $0x80  }
0xb: {  	s26 =	sshll.u32 s6, $0x11;
	s6 =	simm.s32 $0x80;
	[sflag:s4] =	ssyncset.done $0x0  }
0xc: {  	s8 =	sshll.u32 s7, $0xF;
	s7 =	simm.s32 $0x1;
	[sflag:s4] =	ssyncadd.s32 $0xFFFFFF80  }
0xd: {  	[tilespmem:s6], [sflag:$0x1] =	stream.indirect.gather [hbm4b:s1+s6], $0x40, s3, s6, $0xb8;
	[tilespmem:$0x2080] =	vst v63  }
0xe: {  	s8 =	sor.u32 s26, s8;
	_ =	swait.ge [sflag:s7], $0x2000  }
0xf: {  	s18 =	sshrl.u32 s8, $0x3;
	[sflag:s7] =	ssyncset.done $0x0  }
0x10: {  	s19 =	sor.u32 $0x80, s15;
	s8 =	sadd.s32 s14, s18;
	[sflag:s7] =	ssyncadd.s32 $0xFFFFE000  }
0x11: {  	[hbm4b:s8+s3] =	stream.linear.scatter [tilespmem:s6], [sflag:$0x2], $0x2000, $0x38;
	[tilespmem:$0x2080] =	vst v63  }
0x12: {  	s9 =	sor.u32 s17, s19;
	_ =	swait.ge [sflag:s4], $0x2000  }
0x13: {  	s9 =	sshrl.u32 s9, $0x3;
	[sflag:s4] =	ssyncset.done $0x0  }
0x14: {  	s9 =	sadd.s32 s21, s9;
	[sflag:s4] =	ssyncadd.s32 $0xFFFFE000  }
0x15: {  	[tilespmem:s3], [sflag:$0x2] =	stream.linear.gather [hbm4b:s9+s3], $0x80, $0x38;
	[tilespmem:$0x2080] =	vst v63  }
0x16: {  	_ =	swait.ge [sflag:s4], $0x80  }
0x17: {  	[sflag:s4] =	ssyncset.done $0x0  }
0x18: {  	s10 =	sshll.u32 s19, $0x6;
	[sflag:s4] =	ssyncadd.s32 $0xFFFFFF80  }
0x19: {  	[tilespmem:s6], [sflag:$0x1] =	stream.indirect.gather [hbm4b:s1+s6], $0x40, s3, s6, $0xb8;
	[tilespmem:$0x2080] =	vst v63  }
0x1a: {  	s10 =	sor.u32 s26, s10;
	_ =	swait.ge [sflag:s7], $0x2000  }
0x1b: {  	s20 =	sshrl.u32 s10, $0x3;
	[sflag:s7] =	ssyncset.done $0x0  }
0x1c: {  	s23 =	sor.u32 $0x100, s15;
	s10 =	sadd.s32 s14, s20;
	[sflag:s7] =	ssyncadd.s32 $0xFFFFE000  }
0x1d: {  	[hbm4b:s10+s3] =	stream.linear.scatter [tilespmem:s6], [sflag:$0x2], $0x2000, $0x38;
	[tilespmem:$0x2080] =	vst v63  }
0x1e: {  	s11 =	sor.u32 s17, s23;
	_ =	swait.ge [sflag:s4], $0x2000  }
0x1f: {  	s11 =	sshrl.u32 s11, $0x3;
	[sflag:s4] =	ssyncset.done $0x0  }
0x20: {  	s11 =	sadd.s32 s21, s11;
	[sflag:s4] =	ssyncadd.s32 $0xFFFFE000  }
0x21: {  	[tilespmem:s3], [sflag:$0x2] =	stream.linear.gather [hbm4b:s11+s3], $0x80, $0x38;
	[tilespmem:$0x2080] =	vst v63  }
0x22: {  	_ =	swait.ge [sflag:s4], $0x80  }
0x23: {  	[sflag:s4] =	ssyncset.done $0x0  }
0x24: {  	s12 =	sshll.u32 s23, $0x6;
	[sflag:s4] =	ssyncadd.s32 $0xFFFFFF80  }
0x25: {  	[tilespmem:s6], [sflag:$0x1] =	stream.indirect.gather [hbm4b:s1+s6], $0x40, s3, s6, $0xb8;
	[tilespmem:$0x2080] =	vst v63  }
0x26: {  	s12 =	sor.u32 s26, s12;
	_ =	swait.ge [sflag:s7], $0x2000  }
0x27: {  	s24 =	sshrl.u32 s12, $0x3;
	[sflag:s7] =	ssyncset.done $0x0  }
0x28: {  	s25 =	sor.u32 $0x180, s15;
	s12 =	sadd.s32 s14, s24;
	[sflag:s7] =	ssyncadd.s32 $0xFFFFE000  }
0x29: {  	[hbm4b:s12+s3] =	stream.linear.scatter [tilespmem:s6], [sflag:$0x2], $0x2000, $0x38;
	[tilespmem:$0x2080] =	vst v63  }
0x2a: {  	s13 =	sor.u32 s17, s25;
	_ =	swait.ge [sflag:s4], $0x2000  }
0x2b: {  	s13 =	sshrl.u32 s13, $0x3;
	[sflag:s4] =	ssyncset.done $0x0  }
0x2c: {  	s13 =	sadd.s32 s21, s13;
	[sflag:s4] =	ssyncadd.s32 $0xFFFFE000  }
0x2d: {  	[tilespmem:s3], [sflag:$0x2] =	stream.linear.gather [hbm4b:s13+s3], $0x80, $0x38;
	[tilespmem:$0x2080] =	vst v63  }
0x2e: {  	_ =	swait.ge [sflag:s4], $0x80  }
0x2f: {  	[sflag:s4] =	ssyncset.done $0x0  }
0x30: {  	s28 =	sshll.u32 s25, $0x6;
	[sflag:s4] =	ssyncadd.s32 $0xFFFFFF80  }
0x31: {  	[tilespmem:s6], [sflag:$0x1] =	stream.indirect.gather [hbm4b:s1+s6], $0x40, s3, s6, $0xb8;
	[tilespmem:$0x2080] =	vst v63  }
0x32: {  	s26 =	sor.u32 s26, s28;
	_ =	swait.ge [sflag:s7], $0x2000  }
0x33: {  	s26 =	sshrl.u32 s26, $0x3;
	[sflag:s7] =	ssyncset.done $0x0  }
0x34: {  	s31 =	sor.u32 $0x800, s17;
	s14 =	sadd.s32 s14, s26;
	[sflag:s7] =	ssyncadd.s32 $0xFFFFE000  }
0x35: {  	[hbm4b:s14+s3] =	stream.linear.scatter [tilespmem:s6], [sflag:$0x2], $0x2000, $0x38;
	[tilespmem:$0x2080] =	vst v63  }
0x36: {  	s15 =	sor.u32 s31, s15;
	_ =	swait.ge [sflag:s4], $0x2000  }
0x37: {  	s15 =	sshrl.u32 s15, $0x3;
	[sflag:s4] =	ssyncset.done $0x0  }
0x38: {  	s15 =	sadd.s32 s21, s15;
	[sflag:s4] =	ssyncadd.s32 $0xFFFFE000  }
0x39: {  	[tilespmem:s3], [sflag:$0x2] =	stream.linear.gather [hbm4b:s15+s3], $0x80, $0x38;
	[tilespmem:$0x2080] =	vst v63  }
0x3a: {  	_ =	swait.ge [sflag:s4], $0x80  }
0x3b: {  	[sflag:s4] =	ssyncset.done $0x0  }
0x3c: {  	[sflag:s4] =	ssyncadd.s32 $0xFFFFFF80  }
0x3d: {  	[tilespmem:s6], [sflag:$0x1] =	stream.indirect.gather [hbm4b:s1+s6], $0x40, s3, s6, $0xb8;
	[tilespmem:$0x2080] =	vst v63  }
0x3e: {  	_ =	swait.ge [sflag:s7], $0x2000  }
0x3f: {  	s29 =	sadd.s32 $0xA00, s16;
	[sflag:s7] =	ssyncset.done $0x0  }
0x40: {  	s16 =	sadd.s32 s29, s18;
	[sflag:s7] =	ssyncadd.s32 $0xFFFFE000  }
0x41: {  	[hbm4b:s16+s3] =	stream.linear.scatter [tilespmem:s6], [sflag:$0x2], $0x2000, $0x38;
	[tilespmem:$0x2080] =	vst v63  }
0x42: {  	s17 =	sor.u32 s31, s19;
	_ =	swait.ge [sflag:s4], $0x2000  }
0x43: {  	s17 =	sshrl.u32 s17, $0x3;
	[sflag:s4] =	ssyncset.done $0x0  }
0x44: {  	s17 =	sadd.s32 s21, s17;
	[sflag:s4] =	ssyncadd.s32 $0xFFFFE000  }
0x45: {  	[tilespmem:s3], [sflag:$0x2] =	stream.linear.gather [hbm4b:s17+s3], $0x80, $0x38;
	[tilespmem:$0x2080] =	vst v63  }
0x46: {  	_ =	swait.ge [sflag:s4], $0x80  }
0x47: {  	[sflag:s4] =	ssyncset.done $0x0  }
0x48: {  	[sflag:s4] =	ssyncadd.s32 $0xFFFFFF80  }
0x49: {  	[tilespmem:s6], [sflag:$0x1] =	stream.indirect.gather [hbm4b:s1+s6], $0x40, s3, s6, $0xb8;
	[tilespmem:$0x2080] =	vst v63  }
0x4a: {  	_ =	swait.ge [sflag:s7], $0x2000  }
0x4b: {  	[sflag:s7] =	ssyncset.done $0x0  }
0x4c: {  	s18 =	sadd.s32 s29, s20;
	[sflag:s7] =	ssyncadd.s32 $0xFFFFE000  }
0x4d: {  	[hbm4b:s18+s3] =	stream.linear.scatter [tilespmem:s6], [sflag:$0x2], $0x2000, $0x38;
	[tilespmem:$0x2080] =	vst v63  }
0x4e: {  	s23 =	sor.u32 s31, s23;
	_ =	swait.ge [sflag:s4], $0x2000  }
0x4f: {  	s19 =	sshrl.u32 s23, $0x3;
	[sflag:s4] =	ssyncset.done $0x0  }
0x50: {  	s19 =	sadd.s32 s21, s19;
	[sflag:s4] =	ssyncadd.s32 $0xFFFFE000  }
0x51: {  	[tilespmem:s3], [sflag:$0x2] =	stream.linear.gather [hbm4b:s19+s3], $0x80, $0x38;
	[tilespmem:$0x2080] =	vst v63  }
0x52: {  	_ =	swait.ge [sflag:s4], $0x80  }
0x53: {  	[sflag:s4] =	ssyncset.done $0x0  }
0x54: {  	[sflag:s4] =	ssyncadd.s32 $0xFFFFFF80  }
0x55: {  	[tilespmem:s6], [sflag:$0x1] =	stream.indirect.gather [hbm4b:s1+s6], $0x40, s3, s6, $0xb8;
	[tilespmem:$0x2080] =	vst v63  }
0x56: {  	_ =	swait.ge [sflag:s7], $0x2000  }
0x57: {  	[sflag:s7] =	ssyncset.done $0x0  }
0x58: {  	s20 =	sadd.s32 s29, s24;
	[sflag:s7] =	ssyncadd.s32 $0xFFFFE000  }
0x59: {  	[hbm4b:s20+s3] =	stream.linear.scatter [tilespmem:s6], [sflag:$0x2], $0x2000, $0x38;
	[tilespmem:$0x2080] =	vst v63  }
0x5a: {  	s30 =	sor.u32 s31, s25;
	_ =	swait.ge [sflag:s4], $0x2000  }
0x5b: {  	s23 =	sshrl.u32 s30, $0x3;
	[sflag:s4] =	ssyncset.done $0x0  }
0x5c: {  	s22 =	ssub.s32 $0x2, s22;
	s21 =	sadd.s32 s21, s23;
	[sflag:s4] =	ssyncadd.s32 $0xFFFFE000  }
0x5d: {  	[tilespmem:s3], [sflag:$0x2] =	stream.linear.gather [hbm4b:s21+s3], $0x80, $0x38;
	[tilespmem:$0x2080] =	vst v63  }
0x5e: {  	s31 =	sshrl.u32 s22, $0x1;
	_ =	swait.ge [sflag:s4], $0x80  }
0x5f: {  	s23 =	ssub.s32 s22, s31;
	[sflag:s4] =	ssyncset.done $0x0  }
0x60: {  	s23 =	smax.u32 s23, $0x1;
	[sflag:s4] =	ssyncadd.s32 $0xFFFFFF80  }
0x61: {  	[tilespmem:s6], [sflag:$0x1] =	stream.indirect.gather [hbm4b:s1+s6], $0x40, s3, s6, $0xb8;
	[tilespmem:$0x2080] =	vst v63  }
0x62: {  	p0 =	sne.s32 s23, $0x1;
	_ =	swait.ge [sflag:s7], $0x2000  }
.Ltmp0:
0x63: {  	[sflag:s7] =	ssyncset.done $0x0;
	(pc) =	sbr.rel @!p0 .LBB2_2-.Ltmp0, $4  }
0x64: {  	s22 =	sadd.s32 s29, s26;
	[sflag:s7] =	ssyncadd.s32 $0xFFFFE000  }
0x65: {  	[hbm4b:s22+s3] =	stream.linear.scatter [tilespmem:s6], [sflag:$0x2], $0x2000, $0x38;
	[tilespmem:$0x2080] =	vst v63  }
0x66: {  	_ =	swait.ge [sflag:s4], $0x2000  }
0x67: {  	s23 =	sadd.s32 $0xFFFFFFFF, s23;
	[sflag:s4] =	ssyncset.done $0x0  }
.LBB2_1:
0x68: {  	p0 =	sne.s32 s23, $0x1;
	s23 =	sadd.s32 $0xFFFFFFFF, s23;
	[sflag:s4] =	ssyncadd.s32 $0xFFFFE000  }
0x69: {  	[tilespmem:s3], [sflag:$0x2] =	stream.linear.gather [hbm4b:s5+s3], $0x80, $0x38;
	[tilespmem:$0x2080] =	vst v63  }
0x6a: {  	_ =	swait.ge [sflag:s4], $0x80  }
0x6b: {  	[sflag:s4] =	ssyncset.done $0x0  }
0x6c: {  	[sflag:s4] =	ssyncadd.s32 $0xFFFFFF80  }
0x6d: {  	[tilespmem:s6], [sflag:$0x1] =	stream.indirect.gather [hbm4b:s1+s6], $0x40, s3, s6, $0xb8;
	[tilespmem:$0x2080] =	vst v63  }
0x6e: {  	_ =	swait.ge [sflag:s7], $0x2000  }
0x6f: {  	[sflag:s7] =	ssyncset.done $0x0  }
0x70: {  	[sflag:s7] =	ssyncadd.s32 $0xFFFFE000  }
0x71: {  	[hbm4b:s8+s3] =	stream.linear.scatter [tilespmem:s6], [sflag:$0x2], $0x2000, $0x38;
	[tilespmem:$0x2080] =	vst v63  }
0x72: {  	_ =	swait.ge [sflag:s4], $0x2000  }
0x73: {  	[sflag:s4] =	ssyncset.done $0x0  }
0x74: {  	[sflag:s4] =	ssyncadd.s32 $0xFFFFE000  }
0x75: {  	[tilespmem:s3], [sflag:$0x2] =	stream.linear.gather [hbm4b:s9+s3], $0x80, $0x38;
	[tilespmem:$0x2080] =	vst v63  }
0x76: {  	_ =	swait.ge [sflag:s4], $0x80  }
0x77: {  	[sflag:s4] =	ssyncset.done $0x0  }
0x78: {  	[sflag:s4] =	ssyncadd.s32 $0xFFFFFF80  }
0x79: {  	[tilespmem:s6], [sflag:$0x1] =	stream.indirect.gather [hbm4b:s1+s6], $0x40, s3, s6, $0xb8;
	[tilespmem:$0x2080] =	vst v63  }
0x7a: {  	_ =	swait.ge [sflag:s7], $0x2000  }
0x7b: {  	[sflag:s7] =	ssyncset.done $0x0  }
0x7c: {  	[sflag:s7] =	ssyncadd.s32 $0xFFFFE000  }
0x7d: {  	[hbm4b:s10+s3] =	stream.linear.scatter [tilespmem:s6], [sflag:$0x2], $0x2000, $0x38;
	[tilespmem:$0x2080] =	vst v63  }
0x7e: {  	_ =	swait.ge [sflag:s4], $0x2000  }
0x7f: {  	[sflag:s4] =	ssyncset.done $0x0  }
0x80: {  	[sflag:s4] =	ssyncadd.s32 $0xFFFFE000  }
0x81: {  	[tilespmem:s3], [sflag:$0x2] =	stream.linear.gather [hbm4b:s11+s3], $0x80, $0x38;
	[tilespmem:$0x2080] =	vst v63  }
0x82: {  	_ =	swait.ge [sflag:s4], $0x80  }
0x83: {  	[sflag:s4] =	ssyncset.done $0x0  }
0x84: {  	[sflag:s4] =	ssyncadd.s32 $0xFFFFFF80  }
0x85: {  	[tilespmem:s6], [sflag:$0x1] =	stream.indirect.gather [hbm4b:s1+s6], $0x40, s3, s6, $0xb8;
	[tilespmem:$0x2080] =	vst v63  }
0x86: {  	_ =	swait.ge [sflag:s7], $0x2000  }
0x87: {  	[sflag:s7] =	ssyncset.done $0x0  }
0x88: {  	[sflag:s7] =	ssyncadd.s32 $0xFFFFE000  }
0x89: {  	[hbm4b:s12+s3] =	stream.linear.scatter [tilespmem:s6], [sflag:$0x2], $0x2000, $0x38;
	[tilespmem:$0x2080] =	vst v63  }
0x8a: {  	_ =	swait.ge [sflag:s4], $0x2000  }
0x8b: {  	[sflag:s4] =	ssyncset.done $0x0  }
0x8c: {  	[sflag:s4] =	ssyncadd.s32 $0xFFFFE000  }
0x8d: {  	[tilespmem:s3], [sflag:$0x2] =	stream.linear.gather [hbm4b:s13+s3], $0x80, $0x38;
	[tilespmem:$0x2080] =	vst v63  }
0x8e: {  	_ =	swait.ge [sflag:s4], $0x80  }
0x8f: {  	[sflag:s4] =	ssyncset.done $0x0  }
0x90: {  	[sflag:s4] =	ssyncadd.s32 $0xFFFFFF80  }
0x91: {  	[tilespmem:s6], [sflag:$0x1] =	stream.indirect.gather [hbm4b:s1+s6], $0x40, s3, s6, $0xb8;
	[tilespmem:$0x2080] =	vst v63  }
0x92: {  	_ =	swait.ge [sflag:s7], $0x2000  }
0x93: {  	[sflag:s7] =	ssyncset.done $0x0  }
0x94: {  	[sflag:s7] =	ssyncadd.s32 $0xFFFFE000  }
0x95: {  	[hbm4b:s14+s3] =	stream.linear.scatter [tilespmem:s6], [sflag:$0x2], $0x2000, $0x38;
	[tilespmem:$0x2080] =	vst v63  }
0x96: {  	_ =	swait.ge [sflag:s4], $0x2000  }
0x97: {  	[sflag:s4] =	ssyncset.done $0x0  }
0x98: {  	[sflag:s4] =	ssyncadd.s32 $0xFFFFE000  }
0x99: {  	[tilespmem:s3], [sflag:$0x2] =	stream.linear.gather [hbm4b:s15+s3], $0x80, $0x38;
	[tilespmem:$0x2080] =	vst v63  }
0x9a: {  	_ =	swait.ge [sflag:s4], $0x80  }
0x9b: {  	[sflag:s4] =	ssyncset.done $0x0  }
0x9c: {  	[sflag:s4] =	ssyncadd.s32 $0xFFFFFF80  }
0x9d: {  	[tilespmem:s6], [sflag:$0x1] =	stream.indirect.gather [hbm4b:s1+s6], $0x40, s3, s6, $0xb8;
	[tilespmem:$0x2080] =	vst v63  }
0x9e: {  	_ =	swait.ge [sflag:s7], $0x2000  }
0x9f: {  	[sflag:s7] =	ssyncset.done $0x0  }
0xa0: {  	[sflag:s7] =	ssyncadd.s32 $0xFFFFE000  }
0xa1: {  	[hbm4b:s16+s3] =	stream.linear.scatter [tilespmem:s6], [sflag:$0x2], $0x2000, $0x38;
	[tilespmem:$0x2080] =	vst v63  }
0xa2: {  	_ =	swait.ge [sflag:s4], $0x2000  }
0xa3: {  	[sflag:s4] =	ssyncset.done $0x0  }
0xa4: {  	[sflag:s4] =	ssyncadd.s32 $0xFFFFE000  }
0xa5: {  	[tilespmem:s3], [sflag:$0x2] =	stream.linear.gather [hbm4b:s17+s3], $0x80, $0x38;
	[tilespmem:$0x2080] =	vst v63  }
0xa6: {  	_ =	swait.ge [sflag:s4], $0x80  }
0xa7: {  	[sflag:s4] =	ssyncset.done $0x0  }
0xa8: {  	[sflag:s4] =	ssyncadd.s32 $0xFFFFFF80  }
0xa9: {  	[tilespmem:s6], [sflag:$0x1] =	stream.indirect.gather [hbm4b:s1+s6], $0x40, s3, s6, $0xb8;
	[tilespmem:$0x2080] =	vst v63  }
0xaa: {  	_ =	swait.ge [sflag:s7], $0x2000  }
0xab: {  	[sflag:s7] =	ssyncset.done $0x0  }
0xac: {  	[sflag:s7] =	ssyncadd.s32 $0xFFFFE000  }
0xad: {  	[hbm4b:s18+s3] =	stream.linear.scatter [tilespmem:s6], [sflag:$0x2], $0x2000, $0x38;
	[tilespmem:$0x2080] =	vst v63  }
0xae: {  	_ =	swait.ge [sflag:s4], $0x2000  }
0xaf: {  	[sflag:s4] =	ssyncset.done $0x0  }
0xb0: {  	[sflag:s4] =	ssyncadd.s32 $0xFFFFE000  }
0xb1: {  	[tilespmem:s3], [sflag:$0x2] =	stream.linear.gather [hbm4b:s19+s3], $0x80, $0x38;
	[tilespmem:$0x2080] =	vst v63  }
0xb2: {  	_ =	swait.ge [sflag:s4], $0x80  }
0xb3: {  	[sflag:s4] =	ssyncset.done $0x0  }
0xb4: {  	[sflag:s4] =	ssyncadd.s32 $0xFFFFFF80  }
0xb5: {  	[tilespmem:s6], [sflag:$0x1] =	stream.indirect.gather [hbm4b:s1+s6], $0x40, s3, s6, $0xb8;
	[tilespmem:$0x2080] =	vst v63  }
0xb6: {  	_ =	swait.ge [sflag:s7], $0x2000  }
0xb7: {  	[sflag:s7] =	ssyncset.done $0x0  }
0xb8: {  	[sflag:s7] =	ssyncadd.s32 $0xFFFFE000  }
0xb9: {  	[hbm4b:s20+s3] =	stream.linear.scatter [tilespmem:s6], [sflag:$0x2], $0x2000, $0x38;
	[tilespmem:$0x2080] =	vst v63  }
0xba: {  	_ =	swait.ge [sflag:s4], $0x2000  }
0xbb: {  	[sflag:s4] =	ssyncset.done $0x0  }
0xbc: {  	[sflag:s4] =	ssyncadd.s32 $0xFFFFE000  }
0xbd: {  	[tilespmem:s3], [sflag:$0x2] =	stream.linear.gather [hbm4b:s21+s3], $0x80, $0x38;
	[tilespmem:$0x2080] =	vst v63  }
0xbe: {  	_ =	swait.ge [sflag:s4], $0x80  }
0xbf: {  	[sflag:s4] =	ssyncset.done $0x0  }
0xc0: {  	[sflag:s4] =	ssyncadd.s32 $0xFFFFFF80  }
0xc1: {  	[tilespmem:s6], [sflag:$0x1] =	stream.indirect.gather [hbm4b:s1+s6], $0x40, s3, s6, $0xb8;
	[tilespmem:$0x2080] =	vst v63  }
0xc2: {  	_ =	swait.ge [sflag:s7], $0x2000  }
.Ltmp1:
0xc3: {  	[sflag:s7] =	ssyncset.done $0x0;
	(pc) =	sbr.rel @p0 .LBB2_1-.Ltmp1, $4  }
0xc4: {  	[sflag:s7] =	ssyncadd.s32 $0xFFFFE000  }
0xc5: {  	[hbm4b:s22+s3] =	stream.linear.scatter [tilespmem:s6], [sflag:$0x2], $0x2000, $0x38;
	[tilespmem:$0x2080] =	vst v63  }
0xc6: {  	_ =	swait.ge [sflag:s4], $0x2000  }
0xc7: {  	[sflag:s4] =	ssyncset.done $0x0  }
.LBB2_2:
0xc8: {  	[sflag:s4] =	ssyncadd.s32 $0xFFFFE000  }
0xc9: {  	_ =	sfence.sel $0x180000  }
0xca: {  	[bflag:$0x0] =	sbarrier.arrive $0xFFFF  }
0xcb: {  	p0 =	sne.s32 s0, $0x0;
	_ =	strace $0x90000047  }
0xcc: {  	s0 =	sadd.s32 @!p0 $0x100000, s2;
	[bflag:$0x2] =	sbarrier.arrive $0xFFFF  }
0xcd: {  	[sflag:s0] =	ssyncadd.tile.s32 @!p0 $0x1;
	_ =	shalt  }
.Lfunc_end2:
_tile_overlayer_lowered:
.L_overlay_start_2:
0xce: {  	(tag) =	ssettag $0x2  }
0xcf: {  	s0 =	rddreg [dreg:$0x0];
	s2 =	stileid.u32  }
0xd0: {  	s1 =	rddreg [dreg:$0x1];
	p0 =	sne.s32 s2, $0x0  }
0xd1: {  	s3 =	rddreg [dreg:$0x2];
	[bflag:$0x3] =	sbarrier.arrive $0xFFFF;
	s2 =	simm.s32 @!p0 $0x1C02  }
0xd2: {  	[timem:s3], [sflag:s2] =	dma.local @!p0 [hbm:s0], s1  }
0xd3: {  	s0 =	simm.s32 @!p0 $0x2  }
0xd4: {  	_ =	swait.ge @!p0 [sflag:s0], s1  }
0xd5: {  	s1 =	ssub.s32 @!p0 $0x0, s1;
	[sflag:s0] =	ssyncset.done @!p0 $0x0  }
0xd6: {  	[sflag:s0] =	ssyncadd.s32 @!p0 s1  }
0xd7: {  	[bflag:$0x3] =	sbarrier.arrive $0xFFFF  }
0xd8: {  	_ =	shalt  }

</sc_bundles>
